<compile_context>
chip_gen: v7x
topology: tpu7x:2x2x1
jax: 0.10.2.dev20260603
libtpu: 0.0.44.dev20260713+nightly
codegen_flags: <defaults>
</compile_context>

<pallas_src>
import functools

import jax
import jax.numpy as jnp
from jax import lax
from jax.experimental import pallas as pl
from jax.experimental.pallas import tpu as pltpu
from jax.experimental.pallas import tpu_sc as plsc

N = 10000
D = 128
E = 320000

NC = 2
NS = 16
NW = NC * NS
B = 64
NB = 4
OFF = NB // 2
L = 16
E_PAD = 327680
ROWS = E_PAD // (NW * B)
N_PAD = 10112
RPT = N_PAD // NS

_mesh = plsc.VectorSubcoreMesh(core_axis_name="c", subcore_axis_name="s")


def _make_segsum(with_counts):
    out_type = [jax.ShapeDtypeStruct((NC, N_PAD, D), jnp.float32)]
    scratch = (
        [pltpu.VMEM((2, B), jnp.int32) for _ in range(NB)]
        + [pltpu.VMEM((B, D), jnp.float32) for _ in range(NB)]
        + [pltpu.VMEM_SHARED((N_PAD, D), jnp.float32)]
        + [pltpu.SemaphoreType.DMA for _ in range(NB)]
        + [pltpu.SemaphoreType.DMA for _ in range(NB)]
    )
    if with_counts:
        out_type.append(jax.ShapeDtypeStruct((NW, N_PAD), jnp.float32))
        scratch.append(pltpu.VMEM((N_PAD,), jnp.float32))

    @functools.partial(pl.kernel, out_type=out_type, mesh=_mesh,
                       scratch_types=scratch,
                       compiler_params=pltpu.CompilerParams(
                           needs_layout_passes=False))
    def segsum(table, edge_r, zeros, out, *rest):
        if with_counts:
            cnt_out = rest[0]
            rest = rest[1:]
        ix = rest[0:NB]
        rv = rest[NB:2 * NB]
        acc = rest[2 * NB]
        gs = rest[2 * NB + 1:3 * NB + 1]
        ss = rest[3 * NB + 1:4 * NB + 1]
        cnt_v = rest[4 * NB + 1] if with_counts else None
        c = lax.axis_index("c")
        s = lax.axis_index("s")

        pltpu.sync_copy(zeros.at[pl.ds(s * RPT, RPT)],
                        acc.at[pl.ds(s * RPT, RPT)])
        if with_counts:
            def zc(i, carry):
                cnt_v[pl.ds(i * L, L)] = jnp.zeros((L,), jnp.float32)
                return carry
            lax.fori_loop(0, N_PAD // L, zc, 0)
        plsc.subcore_barrier()

        ones_l = jnp.full((L,), 1.0, jnp.float32)

        def count(ixj):
            if with_counts:
                for k in range(B // L):
                    plsc.addupdate_scatter(
                        cnt_v, [ixj[1, pl.ds(k * L, L)]], ones_l)

        def run(edge_r, rows):
            w = c * NS + s

            def start_gather(j, ch):
                pltpu.sync_copy(edge_r.at[w, ch], ix[j])
                pltpu.async_copy(table.at[ix[j].at[0]], rv[j], gs[j])

            def wait_gather(j):
                pltpu.make_async_copy(table.at[ix[j].at[0]], rv[j], gs[j]).wait()

            def start_scatter(j):
                pltpu.async_copy(rv[j], acc.at[ix[j].at[1]], ss[j], add=True)

            def wait_scatter(j):
                pltpu.make_async_copy(rv[j], acc.at[ix[j].at[1]], ss[j]).wait()

            for j in range(OFF):
                start_gather(j, j)

            def slot(i, j):
                ch = NB * i + j
                wait_gather(j)
                start_scatter(j)
                count(ix[j])
                jq = (j + OFF) % NB
                @pl.when(ch >= OFF)
                def _():
                    wait_scatter(jq)
                @pl.when(ch + OFF < rows)
                def _():
                    start_gather(jq, ch + OFF)

            def ring(i, carry):
                for j in range(NB):
                    slot(i, j)
                return carry

            lax.fori_loop(0, rows // NB, ring, 0)

            for k in range(OFF):
                wait_scatter((rows - OFF + k) % NB)

        run(edge_r, ROWS)

        plsc.subcore_barrier()
        pltpu.sync_copy(acc.at[pl.ds(s * RPT, RPT)],
                        out.at[c, pl.ds(s * RPT, RPT)])
        if with_counts:
            pltpu.sync_copy(cnt_v, cnt_out.at[c * NS + s])

    return segsum


_sc_segsum_cnt = _make_segsum(True)
_sc_segsum = _make_segsum(False)


def _matmul_t_body(x_ref, w_ref, o_ref):
    o_ref[:] = lax.dot_general(x_ref[:], w_ref[:], (((1,), (1,)), ((), ())),
                               preferred_element_type=jnp.float32)


def _tc_matmul_t(x, w):
    return pl.pallas_call(
        _matmul_t_body,
        out_shape=jax.ShapeDtypeStruct((x.shape[0], w.shape[0]), jnp.float32),
    )(x, w)


def _combine_body(relu, seg_ref, cnt_ref, x_ref, wr_ref, bl_ref, o_ref):
    cnt = jnp.reshape(jnp.sum(cnt_ref[:], axis=0), (N, 1))
    mean = (seg_ref[0] + seg_ref[1]) / jnp.maximum(cnt, 1.0)
    root = lax.dot_general(x_ref[:], wr_ref[:], (((1,), (1,)), ((), ())),
                           preferred_element_type=jnp.float32)
    o = mean + bl_ref[:] + root
    if relu:
        o = jnp.maximum(o, 0.0)
    o_ref[:] = o


def _tc_combine(seg, cnt, x, wr, bl, relu):
    return pl.pallas_call(
        functools.partial(_combine_body, relu),
        out_shape=jax.ShapeDtypeStruct((N, D), jnp.float32),
    )(seg, cnt, x, wr, bl)


def kernel(x, edge_index, W1l, b1l, W1r, W2l, b2l, W2r):
    src = edge_index[0]
    dst = edge_index[1]
    pad = E_PAD - E
    src_p = jnp.concatenate([src, jnp.zeros((pad,), jnp.int32)])
    dst_p = jnp.concatenate([dst, jnp.full((pad,), N, jnp.int32)])
    edge_r = jnp.stack([src_p.reshape(NW, ROWS, B),
                        dst_p.reshape(NW, ROWS, B)], axis=2)

    zeros = jnp.zeros((N_PAD, D), jnp.float32)

    t1 = _tc_matmul_t(x, W1l)
    seg1, cnt_raw = _sc_segsum_cnt(t1, edge_r, zeros)
    cnt = cnt_raw[:, :N]
    h = _tc_combine(seg1[:, :N], cnt, x, W1r, b1l.reshape(1, D), relu=True)

    t2 = _tc_matmul_t(h, W2l)
    (seg2,) = _sc_segsum(t2, edge_r, zeros)
    out = _tc_combine(seg2[:, :N], cnt, h, W2r, b2l.reshape(1, D), relu=False)
    return out

# --- scband reference (transcript-rebuilt; emitter-appended) ---
"""Pipeline reference for scband-sage-9483287789791 (READ-ONLY COPY).

The authoritative reference and input builder live on the scoring server;
editing this copy changes nothing except your own understanding.
"""

import jax, jax.numpy as jnp
import numpy as np

N = 10000
E = 320000
D_IN = 128
D_HID = 128
D_OUT = 128


def _uniform(key, shape, fan_in):
    bound = 1.0 / np.sqrt(fan_in)
    return jax.random.uniform(key, shape, jnp.float32, -bound, bound)


def setup_inputs(seed: int = 0) -> dict:
    key = jax.random.key(seed)
    ks = jax.random.split(key, 9)
    x = jax.random.normal(ks[0], (N, D_IN), jnp.float32)
    edge_index = jax.random.randint(ks[1], (2, E), 0, N, dtype=jnp.int32)
    # Layer 1: SAGEConv(in=128, out=128): lin_l (aggregated msgs, with bias), lin_r (root, no bias)
    W1l = _uniform(ks[2], (D_HID, D_IN), D_IN)
    b1l = _uniform(ks[3], (D_HID,), D_IN)
    W1r = _uniform(ks[4], (D_HID, D_IN), D_IN)
    # Layer 2: SAGEConv(in=128, out=128)
    W2l = _uniform(ks[5], (D_OUT, D_HID), D_HID)
    b2l = _uniform(ks[6], (D_OUT,), D_HID)
    W2r = _uniform(ks[7], (D_OUT, D_HID), D_HID)
    return {"x": x, "edge_index": edge_index, "W1l": W1l, "b1l": b1l, "W1r": W1r,
            "W2l": W2l, "b2l": b2l, "W2r": W2r}


def _sage_conv(x, edge_index, Wl, bl, Wr):
    src = edge_index[0]
    dst = edge_index[1]
    msgs = jnp.take(x, src, axis=0)                       # gather: E x D
    sums = jax.ops.segment_sum(msgs, dst, num_segments=x.shape[0])   # scatter-add
    cnts = jax.ops.segment_sum(jnp.ones((edge_index.shape[1],), x.dtype), dst,
                               num_segments=x.shape[0])
    mean = sums / jnp.clip(cnts, 1.0)[:, None]            # mean aggregation
    return mean @ Wl.T + bl + x @ Wr.T


def reference(x, edge_index, W1l, b1l, W1r, W2l, b2l, W2r):
    h = _sage_conv(x, edge_index, W1l, b1l, W1r)
    h = jax.nn.relu(h)
    # dropout p=0.0 (eval) -> identity
    out = _sage_conv(h, edge_index, W2l, b2l, W2r)
    return out

if __name__ == "__main__":
    import jax
    _d = setup_inputs()
    print(jax.jit(kernel)(*tuple(_d.values())))

</pallas_src>

<mosaic_0001>
#map = affine_map<(d0, d1) -> (0, 0)>
#map1 = affine_map<(d0, d1) -> (0, 0, 0, 0)>
#map2 = affine_map<(d0, d1) -> (0, 0, 0)>
module attributes {stable_mosaic.version = 14 : i64} {
  func.func @segsum(%arg0: i32, %arg1: i32, %arg2: memref<10000x128xf32, #tpu.memory_space<hbm>>, %arg3: memref<32x160x2x64xi32, #tpu.memory_space<hbm>>, %arg4: memref<10112x128xf32, #tpu.memory_space<hbm>>, %arg5: memref<2x10112x128xf32, #tpu.memory_space<hbm>>, %arg6: memref<2x64xi32, #tpu.memory_space<vmem>>, %arg7: memref<2x64xi32, #tpu.memory_space<vmem>>, %arg8: memref<2x64xi32, #tpu.memory_space<vmem>>, %arg9: memref<2x64xi32, #tpu.memory_space<vmem>>, %arg10: memref<64x128xf32, #tpu.memory_space<vmem>>, %arg11: memref<64x128xf32, #tpu.memory_space<vmem>>, %arg12: memref<64x128xf32, #tpu.memory_space<vmem>>, %arg13: memref<64x128xf32, #tpu.memory_space<vmem>>, %arg14: memref<10112x128xf32, #tpu.memory_space<vmem_shared>>, %arg15: memref<!tpu.dma_semaphore, #tpu.memory_space<semaphore_mem>>, %arg16: memref<!tpu.dma_semaphore, #tpu.memory_space<semaphore_mem>>, %arg17: memref<!tpu.dma_semaphore, #tpu.memory_space<semaphore_mem>>, %arg18: memref<!tpu.dma_semaphore, #tpu.memory_space<semaphore_mem>>, %arg19: memref<!tpu.dma_semaphore, #tpu.memory_space<semaphore_mem>>, %arg20: memref<!tpu.dma_semaphore, #tpu.memory_space<semaphore_mem>>, %arg21: memref<!tpu.dma_semaphore, #tpu.memory_space<semaphore_mem>>, %arg22: memref<!tpu.dma_semaphore, #tpu.memory_space<semaphore_mem>>) attributes {dimension_semantics = [#tpu.dimension_semantics<core_parallel>, #tpu.dimension_semantics<subcore_parallel>], iteration_bounds = array<i64: 2, 16>, scalar_prefetch = 0 : i64, scratch_operands = 17 : i64, tpu.core_type = #tpu.core_type<sc_vector_subcore>, window_params = [{transform_indices = #map}, {transform_indices = #map1}, {transform_indices = #map}, {transform_indices = #map2}]} {
    %mul3A = arith.constant 632 : i32
    %mul3A_0 = arith.muli %arg1, %mul3A : i32
    %mul3A_1 = arith.constant 632 : i32
    %mul3A_2 = arith.muli %arg1, %mul3A_1 : i32
    "tpu.region"() ({
      %run_scoped3A_43 = tpu.sem_alloc : memref<!tpu.dma_semaphore, #tpu.memory_space<semaphore_mem>>
      %dma_start3A_44 = arith.constant 0 : i32
      %dma_start3A_45 = tpu.memref_slice %arg14[%mul3A_2, %dma_start3A_44] : memref<10112x128xf32, #tpu.memory_space<vmem_shared>> -> memref<632x128xf32, #tpu.memory_space<vmem_shared>>
      %dma_start3A_46 = arith.constant 0 : i32
      %dma_start3A_47 = tpu.memref_slice %arg4[%mul3A_0, %dma_start3A_46] : memref<10112x128xf32, #tpu.memory_space<hbm>> -> memref<632x128xf32, #tpu.memory_space<hbm>>
      tpu.enqueue_dma source(%dma_start3A_47 : memref<632x128xf32, #tpu.memory_space<hbm>>) target(%dma_start3A_45 : memref<632x128xf32, #tpu.memory_space<vmem_shared>>) target_semaphore(%run_scoped3A_43 : memref<!tpu.dma_semaphore, #tpu.memory_space<semaphore_mem>>)
      %dma_wait3A_48 = arith.constant 0 : i32
      %dma_wait3A_49 = tpu.memref_slice %arg14[%mul3A_2, %dma_wait3A_48] : memref<10112x128xf32, #tpu.memory_space<vmem_shared>> -> memref<632x128xf32, #tpu.memory_space<vmem_shared>>
      %dma_wait3A_50 = arith.constant 0 : i32
      %dma_wait3A_51 = tpu.memref_slice %arg4[%mul3A_0, %dma_wait3A_50] : memref<10112x128xf32, #tpu.memory_space<hbm>> -> memref<632x128xf32, #tpu.memory_space<hbm>>
      tpu.wait_dma2 semaphore(%run_scoped3A_43 : memref<!tpu.dma_semaphore, #tpu.memory_space<semaphore_mem>>) src(%dma_wait3A_51 : memref<632x128xf32, #tpu.memory_space<hbm>>) dst(%dma_wait3A_49 : memref<632x128xf32, #tpu.memory_space<vmem_shared>>)
      tpu.yield
    }) : () -> ()
    %barrier3A = arith.constant 0 : index
    tpu.barrier barrier_id(%barrier3A)
    %broadcast_in_dim3A = arith.constant 1.000000e+00 : f32
    %broadcast_in_dim3A_3 = vector.broadcast %broadcast_in_dim3A : f32 to vector<16xf32>
    %mul3A_4 = arith.constant 16 : i32
    %mul3A_5 = arith.muli %arg0, %mul3A_4 : i32
    %add3A = arith.addi %mul3A_5, %arg1 : i32
    %run_scoped3A = arith.constant 0 : i32
    "tpu.region"() ({
      %run_scoped3A_43 = tpu.sem_alloc : memref<!tpu.dma_semaphore, #tpu.memory_space<semaphore_mem>>
      %dma_start3A_44 = arith.constant 0 : i32
      %dma_start3A_45 = arith.constant 0 : i32
      %dma_start3A_46 = tpu.memref_slice %arg3[%add3A, %run_scoped3A, %dma_start3A_44, %dma_start3A_45] : memref<32x160x2x64xi32, #tpu.memory_space<hbm>> -> memref<1x1x2x64xi32, #tpu.memory_space<hbm>>
      %dma_start3A_47 = tpu.memref_squeeze %dma_start3A_46 : memref<1x1x2x64xi32, #tpu.memory_space<hbm>> -> memref<2x64xi32, #tpu.memory_space<hbm>>
      %dma_start3A_48 = arith.constant 0 : i32
      %dma_start3A_49 = arith.constant 0 : i32
      %dma_start3A_50 = tpu.memref_slice %arg3[%add3A, %run_scoped3A, %dma_start3A_48, %dma_start3A_49] : memref<32x160x2x64xi32, #tpu.memory_space<hbm>> -> memref<1x1x2x64xi32, #tpu.memory_space<hbm>>
      %dma_start3A_51 = tpu.memref_squeeze %dma_start3A_50 : memref<1x1x2x64xi32, #tpu.memory_space<hbm>> -> memref<2x64xi32, #tpu.memory_space<hbm>>
      tpu.enqueue_dma source(%dma_start3A_51 : memref<2x64xi32, #tpu.memory_space<hbm>>) target(%arg6 : memref<2x64xi32, #tpu.memory_space<vmem>>) target_semaphore(%run_scoped3A_43 : memref<!tpu.dma_semaphore, #tpu.memory_space<semaphore_mem>>)
      %dma_wait3A_52 = arith.constant 0 : i32
      %dma_wait3A_53 = arith.constant 0 : i32
      %dma_wait3A_54 = tpu.memref_slice %arg3[%add3A, %run_scoped3A, %dma_wait3A_52, %dma_wait3A_53] : memref<32x160x2x64xi32, #tpu.memory_space<hbm>> -> memref<1x1x2x64xi32, #tpu.memory_space<hbm>>
      %dma_wait3A_55 = tpu.memref_squeeze %dma_wait3A_54 : memref<1x1x2x64xi32, #tpu.memory_space<hbm>> -> memref<2x64xi32, #tpu.memory_space<hbm>>
      %dma_wait3A_56 = arith.constant 0 : i32
      %dma_wait3A_57 = arith.constant 0 : i32
      %dma_wait3A_58 = tpu.memref_slice %arg3[%add3A, %run_scoped3A, %dma_wait3A_56, %dma_wait3A_57] : memref<32x160x2x64xi32, #tpu.memory_space<hbm>> -> memref<1x1x2x64xi32, #tpu.memory_space<hbm>>
      %dma_wait3A_59 = tpu.memref_squeeze %dma_wait3A_58 : memref<1x1x2x64xi32, #tpu.memory_space<hbm>> -> memref<2x64xi32, #tpu.memory_space<hbm>>
      tpu.wait_dma2 semaphore(%run_scoped3A_43 : memref<!tpu.dma_semaphore, #tpu.memory_space<semaphore_mem>>) src(%dma_wait3A_59 : memref<2x64xi32, #tpu.memory_space<hbm>>) dst(%arg6 : memref<2x64xi32, #tpu.memory_space<vmem>>)
      tpu.yield
    }) : () -> ()
    %dma_start3A = arith.constant 0 : i32
    %dma_start3A_6 = arith.constant 0 : i32
    %dma_start3A_7 = tpu.memref_slice %arg6[%dma_start3A, %dma_start3A_6] : memref<2x64xi32, #tpu.memory_space<vmem>> -> memref<1x64xi32, #tpu.memory_space<vmem>>
    %dma_start3A_8 = tpu.memref_squeeze %dma_start3A_7 : memref<1x64xi32, #tpu.memory_space<vmem>> -> memref<64xi32, #tpu.memory_space<vmem>>
    %dma_start3A_9 = arith.constant 0 : i32
    %dma_start3A_10 = arith.constant 0 : i32
    %dma_start3A_11 = tpu.memref_slice %arg2[%dma_start3A_9, %dma_start3A_10] : memref<10000x128xf32, #tpu.memory_space<hbm>> -> memref<10000x128xf32, #tpu.memory_space<hbm>>
    tpu.enqueue_indirect_dma source(%dma_start3A_11 : memref<10000x128xf32, #tpu.memory_space<hbm>>) target(%arg10 : memref<64x128xf32, #tpu.memory_space<vmem>>) offsets(%dma_start3A_8 : memref<64xi32, #tpu.memory_space<vmem>>) semaphore(%arg15 : memref<!tpu.dma_semaphore, #tpu.memory_space<semaphore_mem>>)
    %run_scoped3A_12 = arith.constant 1 : i32
    "tpu.region"() ({
      %run_scoped3A_43 = tpu.sem_alloc : memref<!tpu.dma_semaphore, #tpu.memory_space<semaphore_mem>>
      %dma_start3A_44 = arith.constant 0 : i32
      %dma_start3A_45 = arith.constant 0 : i32
      %dma_start3A_46 = tpu.memref_slice %arg3[%add3A, %run_scoped3A_12, %dma_start3A_44, %dma_start3A_45] : memref<32x160x2x64xi32, #tpu.memory_space<hbm>> -> memref<1x1x2x64xi32, #tpu.memory_space<hbm>>
      %dma_start3A_47 = tpu.memref_squeeze %dma_start3A_46 : memref<1x1x2x64xi32, #tpu.memory_space<hbm>> -> memref<2x64xi32, #tpu.memory_space<hbm>>
      %dma_start3A_48 = arith.constant 0 : i32
      %dma_start3A_49 = arith.constant 0 : i32
      %dma_start3A_50 = tpu.memref_slice %arg3[%add3A, %run_scoped3A_12, %dma_start3A_48, %dma_start3A_49] : memref<32x160x2x64xi32, #tpu.memory_space<hbm>> -> memref<1x1x2x64xi32, #tpu.memory_space<hbm>>
      %dma_start3A_51 = tpu.memref_squeeze %dma_start3A_50 : memref<1x1x2x64xi32, #tpu.memory_space<hbm>> -> memref<2x64xi32, #tpu.memory_space<hbm>>
      tpu.enqueue_dma source(%dma_start3A_51 : memref<2x64xi32, #tpu.memory_space<hbm>>) target(%arg7 : memref<2x64xi32, #tpu.memory_space<vmem>>) target_semaphore(%run_scoped3A_43 : memref<!tpu.dma_semaphore, #tpu.memory_space<semaphore_mem>>)
      %dma_wait3A_52 = arith.constant 0 : i32
      %dma_wait3A_53 = arith.constant 0 : i32
      %dma_wait3A_54 = tpu.memref_slice %arg3[%add3A, %run_scoped3A_12, %dma_wait3A_52, %dma_wait3A_53] : memref<32x160x2x64xi32, #tpu.memory_space<hbm>> -> memref<1x1x2x64xi32, #tpu.memory_space<hbm>>
      %dma_wait3A_55 = tpu.memref_squeeze %dma_wait3A_54 : memref<1x1x2x64xi32, #tpu.memory_space<hbm>> -> memref<2x64xi32, #tpu.memory_space<hbm>>
      %dma_wait3A_56 = arith.constant 0 : i32
      %dma_wait3A_57 = arith.constant 0 : i32
      %dma_wait3A_58 = tpu.memref_slice %arg3[%add3A, %run_scoped3A_12, %dma_wait3A_56, %dma_wait3A_57] : memref<32x160x2x64xi32, #tpu.memory_space<hbm>> -> memref<1x1x2x64xi32, #tpu.memory_space<hbm>>
      %dma_wait3A_59 = tpu.memref_squeeze %dma_wait3A_58 : memref<1x1x2x64xi32, #tpu.memory_space<hbm>> -> memref<2x64xi32, #tpu.memory_space<hbm>>
      tpu.wait_dma2 semaphore(%run_scoped3A_43 : memref<!tpu.dma_semaphore, #tpu.memory_space<semaphore_mem>>) src(%dma_wait3A_59 : memref<2x64xi32, #tpu.memory_space<hbm>>) dst(%arg7 : memref<2x64xi32, #tpu.memory_space<vmem>>)
      tpu.yield
    }) : () -> ()
    %dma_start3A_13 = arith.constant 0 : i32
    %dma_start3A_14 = arith.constant 0 : i32
    %dma_start3A_15 = tpu.memref_slice %arg7[%dma_start3A_13, %dma_start3A_14] : memref<2x64xi32, #tpu.memory_space<vmem>> -> memref<1x64xi32, #tpu.memory_space<vmem>>
    %dma_start3A_16 = tpu.memref_squeeze %dma_start3A_15 : memref<1x64xi32, #tpu.memory_space<vmem>> -> memref<64xi32, #tpu.memory_space<vmem>>
    %dma_start3A_17 = arith.constant 0 : i32
    %dma_start3A_18 = arith.constant 0 : i32
    %dma_start3A_19 = tpu.memref_slice %arg2[%dma_start3A_17, %dma_start3A_18] : memref<10000x128xf32, #tpu.memory_space<hbm>> -> memref<10000x128xf32, #tpu.memory_space<hbm>>
    tpu.enqueue_indirect_dma source(%dma_start3A_19 : memref<10000x128xf32, #tpu.memory_space<hbm>>) target(%arg11 : memref<64x128xf32, #tpu.memory_space<vmem>>) offsets(%dma_start3A_16 : memref<64xi32, #tpu.memory_space<vmem>>) semaphore(%arg16 : memref<!tpu.dma_semaphore, #tpu.memory_space<semaphore_mem>>)
    %scan3A = arith.constant 0 : i32
    %scan3A_20 = arith.constant 0 : i32
    %scan3A_21 = arith.constant 40 : i32
    %scan3A_22 = arith.addi %scan3A_20, %scan3A_21 : i32
    %scan3A_23 = arith.constant 1 : i32
    scf.for %scan3A_43 = %scan3A_20 to %scan3A_22 step %scan3A_23  : i32 {
      %mul3A_44 = arith.constant 4 : i32
      %mul3A_45 = arith.muli %mul3A_44, %scan3A_43 : i32
      %add3A_46 = arith.constant 0 : i32
      %add3A_47 = arith.addi %mul3A_45, %add3A_46 : i32
      %dma_wait3A_48 = arith.constant 0 : i32
      %dma_wait3A_49 = arith.constant 0 : i32
      %dma_wait3A_50 = tpu.memref_slice %arg6[%dma_wait3A_48, %dma_wait3A_49] : memref<2x64xi32, #tpu.memory_space<vmem>> -> memref<1x64xi32, #tpu.memory_space<vmem>>
      %dma_wait3A_51 = tpu.memref_squeeze %dma_wait3A_50 : memref<1x64xi32, #tpu.memory_space<vmem>> -> memref<64xi32, #tpu.memory_space<vmem>>
      %dma_wait3A_52 = arith.constant 0 : i32
      %dma_wait3A_53 = arith.constant 0 : i32
      %dma_wait3A_54 = tpu.memref_slice %arg2[%dma_wait3A_52, %dma_wait3A_53] : memref<10000x128xf32, #tpu.memory_space<hbm>> -> memref<10000x128xf32, #tpu.memory_space<hbm>>
      tpu.wait_indirect_dma semaphore(%arg15 : memref<!tpu.dma_semaphore, #tpu.memory_space<semaphore_mem>>) src(%dma_wait3A_54 : memref<10000x128xf32, #tpu.memory_space<hbm>>) dst(%arg10 : memref<64x128xf32, #tpu.memory_space<vmem>>)
      %dma_start3A_55 = arith.constant 1 : i32
      %dma_start3A_56 = arith.constant 0 : i32
      %dma_start3A_57 = tpu.memref_slice %arg6[%dma_start3A_55, %dma_start3A_56] : memref<2x64xi32, #tpu.memory_space<vmem>> -> memref<1x64xi32, #tpu.memory_space<vmem>>
      %dma_start3A_58 = tpu.memref_squeeze %dma_start3A_57 : memref<1x64xi32, #tpu.memory_space<vmem>> -> memref<64xi32, #tpu.memory_space<vmem>>
      %dma_start3A_59 = arith.constant 0 : i32
      %dma_start3A_60 = arith.constant 0 : i32
      %dma_start3A_61 = tpu.memref_slice %arg14[%dma_start3A_59, %dma_start3A_60] : memref<10112x128xf32, #tpu.memory_space<vmem_shared>> -> memref<10112x128xf32, #tpu.memory_space<vmem_shared>>
      tpu.enqueue_indirect_dma source(%arg10 : memref<64x128xf32, #tpu.memory_space<vmem>>) target(%dma_start3A_61 : memref<10112x128xf32, #tpu.memory_space<vmem_shared>>) offsets(%dma_start3A_58 : memref<64xi32, #tpu.memory_space<vmem>>) semaphore(%arg19 : memref<!tpu.dma_semaphore, #tpu.memory_space<semaphore_mem>>) {add = true}
      %ge3A = arith.constant 2 : i32
      %ge3A_62 = arith.cmpi sge, %add3A_47, %ge3A : i32
      %convert_element_type3A = arith.extui %ge3A_62 : i1 to i32
      %cond3A = arith.constant 0 : i32
      %cond3A_63 = arith.cmpi ne, %convert_element_type3A, %cond3A : i32
      scf.if %cond3A_63 {
        %dma_wait3A_160 = arith.constant 1 : i32
        %dma_wait3A_161 = arith.constant 0 : i32
        %dma_wait3A_162 = tpu.memref_slice %arg8[%dma_wait3A_160, %dma_wait3A_161] : memref<2x64xi32, #tpu.memory_space<vmem>> -> memref<1x64xi32, #tpu.memory_space<vmem>>
        %dma_wait3A_163 = tpu.memref_squeeze %dma_wait3A_162 : memref<1x64xi32, #tpu.memory_space<vmem>> -> memref<64xi32, #tpu.memory_space<vmem>>
        %dma_wait3A_164 = arith.constant 0 : i32
        %dma_wait3A_165 = arith.constant 0 : i32
        %dma_wait3A_166 = tpu.memref_slice %arg14[%dma_wait3A_164, %dma_wait3A_165] : memref<10112x128xf32, #tpu.memory_space<vmem_shared>> -> memref<10112x128xf32, #tpu.memory_space<vmem_shared>>
        tpu.wait_indirect_dma semaphore(%arg21 : memref<!tpu.dma_semaphore, #tpu.memory_space<semaphore_mem>>) src(%arg12 : memref<64x128xf32, #tpu.memory_space<vmem>>) dst(%dma_wait3A_166 : memref<10112x128xf32, #tpu.memory_space<vmem_shared>>)
      } else {
      }
      %add3A_64 = arith.constant 2 : i32
      %add3A_65 = arith.addi %add3A_47, %add3A_64 : i32
      %lt3A = arith.constant 160 : i32
      %lt3A_66 = arith.cmpi slt, %add3A_65, %lt3A : i32
      %convert_element_type3A_67 = arith.extui %lt3A_66 : i1 to i32
      %cond3A_68 = arith.constant 0 : i32
      %cond3A_69 = arith.cmpi ne, %convert_element_type3A_67, %cond3A_68 : i32
      scf.if %cond3A_69 {
        %add3A_160 = arith.constant 2 : i32
        %add3A_161 = arith.addi %add3A_47, %add3A_160 : i32
        "tpu.region"() ({
          %run_scoped3A_169 = tpu.sem_alloc : memref<!tpu.dma_semaphore, #tpu.memory_space<semaphore_mem>>
          %dma_start3A_170 = arith.constant 0 : i32
          %dma_start3A_171 = arith.constant 0 : i32
          %dma_start3A_172 = tpu.memref_slice %arg3[%add3A, %add3A_161, %dma_start3A_170, %dma_start3A_171] : memref<32x160x2x64xi32, #tpu.memory_space<hbm>> -> memref<1x1x2x64xi32, #tpu.memory_space<hbm>>
          %dma_start3A_173 = tpu.memref_squeeze %dma_start3A_172 : memref<1x1x2x64xi32, #tpu.memory_space<hbm>> -> memref<2x64xi32, #tpu.memory_space<hbm>>
          %dma_start3A_174 = arith.constant 0 : i32
          %dma_start3A_175 = arith.constant 0 : i32
          %dma_start3A_176 = tpu.memref_slice %arg3[%add3A, %add3A_161, %dma_start3A_174, %dma_start3A_175] : memref<32x160x2x64xi32, #tpu.memory_space<hbm>> -> memref<1x1x2x64xi32, #tpu.memory_space<hbm>>
          %dma_start3A_177 = tpu.memref_squeeze %dma_start3A_176 : memref<1x1x2x64xi32, #tpu.memory_space<hbm>> -> memref<2x64xi32, #tpu.memory_space<hbm>>
          tpu.enqueue_dma source(%dma_start3A_177 : memref<2x64xi32, #tpu.memory_space<hbm>>) target(%arg8 : memref<2x64xi32, #tpu.memory_space<vmem>>) target_semaphore(%run_scoped3A_169 : memref<!tpu.dma_semaphore, #tpu.memory_space<semaphore_mem>>)
          %dma_wait3A_178 = arith.constant 0 : i32
          %dma_wait3A_179 = arith.constant 0 : i32
          %dma_wait3A_180 = tpu.memref_slice %arg3[%add3A, %add3A_161, %dma_wait3A_178, %dma_wait3A_179] : memref<32x160x2x64xi32, #tpu.memory_space<hbm>> -> memref<1x1x2x64xi32, #tpu.memory_space<hbm>>
          %dma_wait3A_181 = tpu.memref_squeeze %dma_wait3A_180 : memref<1x1x2x64xi32, #tpu.memory_space<hbm>> -> memref<2x64xi32, #tpu.memory_space<hbm>>
          %dma_wait3A_182 = arith.constant 0 : i32
          %dma_wait3A_183 = arith.constant 0 : i32
          %dma_wait3A_184 = tpu.memref_slice %arg3[%add3A, %add3A_161, %dma_wait3A_182, %dma_wait3A_183] : memref<32x160x2x64xi32, #tpu.memory_space<hbm>> -> memref<1x1x2x64xi32, #tpu.memory_space<hbm>>
          %dma_wait3A_185 = tpu.memref_squeeze %dma_wait3A_184 : memref<1x1x2x64xi32, #tpu.memory_space<hbm>> -> memref<2x64xi32, #tpu.memory_space<hbm>>
          tpu.wait_dma2 semaphore(%run_scoped3A_169 : memref<!tpu.dma_semaphore, #tpu.memory_space<semaphore_mem>>) src(%dma_wait3A_185 : memref<2x64xi32, #tpu.memory_space<hbm>>) dst(%arg8 : memref<2x64xi32, #tpu.memory_space<vmem>>)
          tpu.yield
        }) : () -> ()
        %dma_start3A_162 = arith.constant 0 : i32
        %dma_start3A_163 = arith.constant 0 : i32
        %dma_start3A_164 = tpu.memref_slice %arg8[%dma_start3A_162, %dma_start3A_163] : memref<2x64xi32, #tpu.memory_space<vmem>> -> memref<1x64xi32, #tpu.memory_space<vmem>>
        %dma_start3A_165 = tpu.memref_squeeze %dma_start3A_164 : memref<1x64xi32, #tpu.memory_space<vmem>> -> memref<64xi32, #tpu.memory_space<vmem>>
        %dma_start3A_166 = arith.constant 0 : i32
        %dma_start3A_167 = arith.constant 0 : i32
        %dma_start3A_168 = tpu.memref_slice %arg2[%dma_start3A_166, %dma_start3A_167] : memref<10000x128xf32, #tpu.memory_space<hbm>> -> memref<10000x128xf32, #tpu.memory_space<hbm>>
        tpu.enqueue_indirect_dma source(%dma_start3A_168 : memref<10000x128xf32, #tpu.memory_space<hbm>>) target(%arg12 : memref<64x128xf32, #tpu.memory_space<vmem>>) offsets(%dma_start3A_165 : memref<64xi32, #tpu.memory_space<vmem>>) semaphore(%arg17 : memref<!tpu.dma_semaphore, #tpu.memory_space<semaphore_mem>>)
      } else {
      }
      %mul3A_70 = arith.constant 4 : i32
      %mul3A_71 = arith.muli %mul3A_70, %scan3A_43 : i32
      %add3A_72 = arith.constant 1 : i32
      %add3A_73 = arith.addi %mul3A_71, %add3A_72 : i32
      %dma_wait3A_74 = arith.constant 0 : i32
      %dma_wait3A_75 = arith.constant 0 : i32
      %dma_wait3A_76 = tpu.memref_slice %arg7[%dma_wait3A_74, %dma_wait3A_75] : memref<2x64xi32, #tpu.memory_space<vmem>> -> memref<1x64xi32, #tpu.memory_space<vmem>>
      %dma_wait3A_77 = tpu.memref_squeeze %dma_wait3A_76 : memref<1x64xi32, #tpu.memory_space<vmem>> -> memref<64xi32, #tpu.memory_space<vmem>>
      %dma_wait3A_78 = arith.constant 0 : i32
      %dma_wait3A_79 = arith.constant 0 : i32
      %dma_wait3A_80 = tpu.memref_slice %arg2[%dma_wait3A_78, %dma_wait3A_79] : memref<10000x128xf32, #tpu.memory_space<hbm>> -> memref<10000x128xf32, #tpu.memory_space<hbm>>
      tpu.wait_indirect_dma semaphore(%arg16 : memref<!tpu.dma_semaphore, #tpu.memory_space<semaphore_mem>>) src(%dma_wait3A_80 : memref<10000x128xf32, #tpu.memory_space<hbm>>) dst(%arg11 : memref<64x128xf32, #tpu.memory_space<vmem>>)
      %dma_start3A_81 = arith.constant 1 : i32
      %dma_start3A_82 = arith.constant 0 : i32
      %dma_start3A_83 = tpu.memref_slice %arg7[%dma_start3A_81, %dma_start3A_82] : memref<2x64xi32, #tpu.memory_space<vmem>> -> memref<1x64xi32, #tpu.memory_space<vmem>>
      %dma_start3A_84 = tpu.memref_squeeze %dma_start3A_83 : memref<1x64xi32, #tpu.memory_space<vmem>> -> memref<64xi32, #tpu.memory_space<vmem>>
      %dma_start3A_85 = arith.constant 0 : i32
      %dma_start3A_86 = arith.constant 0 : i32
      %dma_start3A_87 = tpu.memref_slice %arg14[%dma_start3A_85, %dma_start3A_86] : memref<10112x128xf32, #tpu.memory_space<vmem_shared>> -> memref<10112x128xf32, #tpu.memory_space<vmem_shared>>
      tpu.enqueue_indirect_dma source(%arg11 : memref<64x128xf32, #tpu.memory_space<vmem>>) target(%dma_start3A_87 : memref<10112x128xf32, #tpu.memory_space<vmem_shared>>) offsets(%dma_start3A_84 : memref<64xi32, #tpu.memory_space<vmem>>) semaphore(%arg20 : memref<!tpu.dma_semaphore, #tpu.memory_space<semaphore_mem>>) {add = true}
      %ge3A_88 = arith.constant 2 : i32
      %ge3A_89 = arith.cmpi sge, %add3A_73, %ge3A_88 : i32
      %convert_element_type3A_90 = arith.extui %ge3A_89 : i1 to i32
      %cond3A_91 = arith.constant 0 : i32
      %cond3A_92 = arith.cmpi ne, %convert_element_type3A_90, %cond3A_91 : i32
      scf.if %cond3A_92 {
        %dma_wait3A_160 = arith.constant 1 : i32
        %dma_wait3A_161 = arith.constant 0 : i32
        %dma_wait3A_162 = tpu.memref_slice %arg9[%dma_wait3A_160, %dma_wait3A_161] : memref<2x64xi32, #tpu.memory_space<vmem>> -> memref<1x64xi32, #tpu.memory_space<vmem>>
        %dma_wait3A_163 = tpu.memref_squeeze %dma_wait3A_162 : memref<1x64xi32, #tpu.memory_space<vmem>> -> memref<64xi32, #tpu.memory_space<vmem>>
        %dma_wait3A_164 = arith.constant 0 : i32
        %dma_wait3A_165 = arith.constant 0 : i32
        %dma_wait3A_166 = tpu.memref_slice %arg14[%dma_wait3A_164, %dma_wait3A_165] : memref<10112x128xf32, #tpu.memory_space<vmem_shared>> -> memref<10112x128xf32, #tpu.memory_space<vmem_shared>>
        tpu.wait_indirect_dma semaphore(%arg22 : memref<!tpu.dma_semaphore, #tpu.memory_space<semaphore_mem>>) src(%arg13 : memref<64x128xf32, #tpu.memory_space<vmem>>) dst(%dma_wait3A_166 : memref<10112x128xf32, #tpu.memory_space<vmem_shared>>)
      } else {
      }
      %add3A_93 = arith.constant 2 : i32
      %add3A_94 = arith.addi %add3A_73, %add3A_93 : i32
      %lt3A_95 = arith.constant 160 : i32
      %lt3A_96 = arith.cmpi slt, %add3A_94, %lt3A_95 : i32
      %convert_element_type3A_97 = arith.extui %lt3A_96 : i1 to i32
      %cond3A_98 = arith.constant 0 : i32
      %cond3A_99 = arith.cmpi ne, %convert_element_type3A_97, %cond3A_98 : i32
      scf.if %cond3A_99 {
        %add3A_160 = arith.constant 2 : i32
        %add3A_161 = arith.addi %add3A_73, %add3A_160 : i32
        "tpu.region"() ({
          %run_scoped3A_169 = tpu.sem_alloc : memref<!tpu.dma_semaphore, #tpu.memory_space<semaphore_mem>>
          %dma_start3A_170 = arith.constant 0 : i32
          %dma_start3A_171 = arith.constant 0 : i32
          %dma_start3A_172 = tpu.memref_slice %arg3[%add3A, %add3A_161, %dma_start3A_170, %dma_start3A_171] : memref<32x160x2x64xi32, #tpu.memory_space<hbm>> -> memref<1x1x2x64xi32, #tpu.memory_space<hbm>>
          %dma_start3A_173 = tpu.memref_squeeze %dma_start3A_172 : memref<1x1x2x64xi32, #tpu.memory_space<hbm>> -> memref<2x64xi32, #tpu.memory_space<hbm>>
          %dma_start3A_174 = arith.constant 0 : i32
          %dma_start3A_175 = arith.constant 0 : i32
          %dma_start3A_176 = tpu.memref_slice %arg3[%add3A, %add3A_161, %dma_start3A_174, %dma_start3A_175] : memref<32x160x2x64xi32, #tpu.memory_space<hbm>> -> memref<1x1x2x64xi32, #tpu.memory_space<hbm>>
          %dma_start3A_177 = tpu.memref_squeeze %dma_start3A_176 : memref<1x1x2x64xi32, #tpu.memory_space<hbm>> -> memref<2x64xi32, #tpu.memory_space<hbm>>
          tpu.enqueue_dma source(%dma_start3A_177 : memref<2x64xi32, #tpu.memory_space<hbm>>) target(%arg9 : memref<2x64xi32, #tpu.memory_space<vmem>>) target_semaphore(%run_scoped3A_169 : memref<!tpu.dma_semaphore, #tpu.memory_space<semaphore_mem>>)
          %dma_wait3A_178 = arith.constant 0 : i32
          %dma_wait3A_179 = arith.constant 0 : i32
          %dma_wait3A_180 = tpu.memref_slice %arg3[%add3A, %add3A_161, %dma_wait3A_178, %dma_wait3A_179] : memref<32x160x2x64xi32, #tpu.memory_space<hbm>> -> memref<1x1x2x64xi32, #tpu.memory_space<hbm>>
          %dma_wait3A_181 = tpu.memref_squeeze %dma_wait3A_180 : memref<1x1x2x64xi32, #tpu.memory_space<hbm>> -> memref<2x64xi32, #tpu.memory_space<hbm>>
          %dma_wait3A_182 = arith.constant 0 : i32
          %dma_wait3A_183 = arith.constant 0 : i32
          %dma_wait3A_184 = tpu.memref_slice %arg3[%add3A, %add3A_161, %dma_wait3A_182, %dma_wait3A_183] : memref<32x160x2x64xi32, #tpu.memory_space<hbm>> -> memref<1x1x2x64xi32, #tpu.memory_space<hbm>>
          %dma_wait3A_185 = tpu.memref_squeeze %dma_wait3A_184 : memref<1x1x2x64xi32, #tpu.memory_space<hbm>> -> memref<2x64xi32, #tpu.memory_space<hbm>>
          tpu.wait_dma2 semaphore(%run_scoped3A_169 : memref<!tpu.dma_semaphore, #tpu.memory_space<semaphore_mem>>) src(%dma_wait3A_185 : memref<2x64xi32, #tpu.memory_space<hbm>>) dst(%arg9 : memref<2x64xi32, #tpu.memory_space<vmem>>)
          tpu.yield
        }) : () -> ()
        %dma_start3A_162 = arith.constant 0 : i32
        %dma_start3A_163 = arith.constant 0 : i32
        %dma_start3A_164 = tpu.memref_slice %arg9[%dma_start3A_162, %dma_start3A_163] : memref<2x64xi32, #tpu.memory_space<vmem>> -> memref<1x64xi32, #tpu.memory_space<vmem>>
        %dma_start3A_165 = tpu.memref_squeeze %dma_start3A_164 : memref<1x64xi32, #tpu.memory_space<vmem>> -> memref<64xi32, #tpu.memory_space<vmem>>
        %dma_start3A_166 = arith.constant 0 : i32
        %dma_start3A_167 = arith.constant 0 : i32
        %dma_start3A_168 = tpu.memref_slice %arg2[%dma_start3A_166, %dma_start3A_167] : memref<10000x128xf32, #tpu.memory_space<hbm>> -> memref<10000x128xf32, #tpu.memory_space<hbm>>
        tpu.enqueue_indirect_dma source(%dma_start3A_168 : memref<10000x128xf32, #tpu.memory_space<hbm>>) target(%arg13 : memref<64x128xf32, #tpu.memory_space<vmem>>) offsets(%dma_start3A_165 : memref<64xi32, #tpu.memory_space<vmem>>) semaphore(%arg18 : memref<!tpu.dma_semaphore, #tpu.memory_space<semaphore_mem>>)
      } else {
      }
      %mul3A_100 = arith.constant 4 : i32
      %mul3A_101 = arith.muli %mul3A_100, %scan3A_43 : i32
      %add3A_102 = arith.constant 2 : i32
      %add3A_103 = arith.addi %mul3A_101, %add3A_102 : i32
      %dma_wait3A_104 = arith.constant 0 : i32
      %dma_wait3A_105 = arith.constant 0 : i32
      %dma_wait3A_106 = tpu.memref_slice %arg8[%dma_wait3A_104, %dma_wait3A_105] : memref<2x64xi32, #tpu.memory_space<vmem>> -> memref<1x64xi32, #tpu.memory_space<vmem>>
      %dma_wait3A_107 = tpu.memref_squeeze %dma_wait3A_106 : memref<1x64xi32, #tpu.memory_space<vmem>> -> memref<64xi32, #tpu.memory_space<vmem>>
      %dma_wait3A_108 = arith.constant 0 : i32
      %dma_wait3A_109 = arith.constant 0 : i32
      %dma_wait3A_110 = tpu.memref_slice %arg2[%dma_wait3A_108, %dma_wait3A_109] : memref<10000x128xf32, #tpu.memory_space<hbm>> -> memref<10000x128xf32, #tpu.memory_space<hbm>>
      tpu.wait_indirect_dma semaphore(%arg17 : memref<!tpu.dma_semaphore, #tpu.memory_space<semaphore_mem>>) src(%dma_wait3A_110 : memref<10000x128xf32, #tpu.memory_space<hbm>>) dst(%arg12 : memref<64x128xf32, #tpu.memory_space<vmem>>)
      %dma_start3A_111 = arith.constant 1 : i32
      %dma_start3A_112 = arith.constant 0 : i32
      %dma_start3A_113 = tpu.memref_slice %arg8[%dma_start3A_111, %dma_start3A_112] : memref<2x64xi32, #tpu.memory_space<vmem>> -> memref<1x64xi32, #tpu.memory_space<vmem>>
      %dma_start3A_114 = tpu.memref_squeeze %dma_start3A_113 : memref<1x64xi32, #tpu.memory_space<vmem>> -> memref<64xi32, #tpu.memory_space<vmem>>
      %dma_start3A_115 = arith.constant 0 : i32
      %dma_start3A_116 = arith.constant 0 : i32
      %dma_start3A_117 = tpu.memref_slice %arg14[%dma_start3A_115, %dma_start3A_116] : memref<10112x128xf32, #tpu.memory_space<vmem_shared>> -> memref<10112x128xf32, #tpu.memory_space<vmem_shared>>
      tpu.enqueue_indirect_dma source(%arg12 : memref<64x128xf32, #tpu.memory_space<vmem>>) target(%dma_start3A_117 : memref<10112x128xf32, #tpu.memory_space<vmem_shared>>) offsets(%dma_start3A_114 : memref<64xi32, #tpu.memory_space<vmem>>) semaphore(%arg21 : memref<!tpu.dma_semaphore, #tpu.memory_space<semaphore_mem>>) {add = true}
      %ge3A_118 = arith.constant 2 : i32
      %ge3A_119 = arith.cmpi sge, %add3A_103, %ge3A_118 : i32
      %convert_element_type3A_120 = arith.extui %ge3A_119 : i1 to i32
      %cond3A_121 = arith.constant 0 : i32
      %cond3A_122 = arith.cmpi ne, %convert_element_type3A_120, %cond3A_121 : i32
      scf.if %cond3A_122 {
        %dma_wait3A_160 = arith.constant 1 : i32
        %dma_wait3A_161 = arith.constant 0 : i32
        %dma_wait3A_162 = tpu.memref_slice %arg6[%dma_wait3A_160, %dma_wait3A_161] : memref<2x64xi32, #tpu.memory_space<vmem>> -> memref<1x64xi32, #tpu.memory_space<vmem>>
        %dma_wait3A_163 = tpu.memref_squeeze %dma_wait3A_162 : memref<1x64xi32, #tpu.memory_space<vmem>> -> memref<64xi32, #tpu.memory_space<vmem>>
        %dma_wait3A_164 = arith.constant 0 : i32
        %dma_wait3A_165 = arith.constant 0 : i32
        %dma_wait3A_166 = tpu.memref_slice %arg14[%dma_wait3A_164, %dma_wait3A_165] : memref<10112x128xf32, #tpu.memory_space<vmem_shared>> -> memref<10112x128xf32, #tpu.memory_space<vmem_shared>>
        tpu.wait_indirect_dma semaphore(%arg19 : memref<!tpu.dma_semaphore, #tpu.memory_space<semaphore_mem>>) src(%arg10 : memref<64x128xf32, #tpu.memory_space<vmem>>) dst(%dma_wait3A_166 : memref<10112x128xf32, #tpu.memory_space<vmem_shared>>)
      } else {
      }
      %add3A_123 = arith.constant 2 : i32
      %add3A_124 = arith.addi %add3A_103, %add3A_123 : i32
      %lt3A_125 = arith.constant 160 : i32
      %lt3A_126 = arith.cmpi slt, %add3A_124, %lt3A_125 : i32
      %convert_element_type3A_127 = arith.extui %lt3A_126 : i1 to i32
      %cond3A_128 = arith.constant 0 : i32
      %cond3A_129 = arith.cmpi ne, %convert_element_type3A_127, %cond3A_128 : i32
      scf.if %cond3A_129 {
        %add3A_160 = arith.constant 2 : i32
        %add3A_161 = arith.addi %add3A_103, %add3A_160 : i32
        "tpu.region"() ({
          %run_scoped3A_169 = tpu.sem_alloc : memref<!tpu.dma_semaphore, #tpu.memory_space<semaphore_mem>>
          %dma_start3A_170 = arith.constant 0 : i32
          %dma_start3A_171 = arith.constant 0 : i32
          %dma_start3A_172 = tpu.memref_slice %arg3[%add3A, %add3A_161, %dma_start3A_170, %dma_start3A_171] : memref<32x160x2x64xi32, #tpu.memory_space<hbm>> -> memref<1x1x2x64xi32, #tpu.memory_space<hbm>>
          %dma_start3A_173 = tpu.memref_squeeze %dma_start3A_172 : memref<1x1x2x64xi32, #tpu.memory_space<hbm>> -> memref<2x64xi32, #tpu.memory_space<hbm>>
          %dma_start3A_174 = arith.constant 0 : i32
          %dma_start3A_175 = arith.constant 0 : i32
          %dma_start3A_176 = tpu.memref_slice %arg3[%add3A, %add3A_161, %dma_start3A_174, %dma_start3A_175] : memref<32x160x2x64xi32, #tpu.memory_space<hbm>> -> memref<1x1x2x64xi32, #tpu.memory_space<hbm>>
          %dma_start3A_177 = tpu.memref_squeeze %dma_start3A_176 : memref<1x1x2x64xi32, #tpu.memory_space<hbm>> -> memref<2x64xi32, #tpu.memory_space<hbm>>
          tpu.enqueue_dma source(%dma_start3A_177 : memref<2x64xi32, #tpu.memory_space<hbm>>) target(%arg6 : memref<2x64xi32, #tpu.memory_space<vmem>>) target_semaphore(%run_scoped3A_169 : memref<!tpu.dma_semaphore, #tpu.memory_space<semaphore_mem>>)
          %dma_wait3A_178 = arith.constant 0 : i32
          %dma_wait3A_179 = arith.constant 0 : i32
          %dma_wait3A_180 = tpu.memref_slice %arg3[%add3A, %add3A_161, %dma_wait3A_178, %dma_wait3A_179] : memref<32x160x2x64xi32, #tpu.memory_space<hbm>> -> memref<1x1x2x64xi32, #tpu.memory_space<hbm>>
          %dma_wait3A_181 = tpu.memref_squeeze %dma_wait3A_180 : memref<1x1x2x64xi32, #tpu.memory_space<hbm>> -> memref<2x64xi32, #tpu.memory_space<hbm>>
          %dma_wait3A_182 = arith.constant 0 : i32
          %dma_wait3A_183 = arith.constant 0 : i32
          %dma_wait3A_184 = tpu.memref_slice %arg3[%add3A, %add3A_161, %dma_wait3A_182, %dma_wait3A_183] : memref<32x160x2x64xi32, #tpu.memory_space<hbm>> -> memref<1x1x2x64xi32, #tpu.memory_space<hbm>>
          %dma_wait3A_185 = tpu.memref_squeeze %dma_wait3A_184 : memref<1x1x2x64xi32, #tpu.memory_space<hbm>> -> memref<2x64xi32, #tpu.memory_space<hbm>>
          tpu.wait_dma2 semaphore(%run_scoped3A_169 : memref<!tpu.dma_semaphore, #tpu.memory_space<semaphore_mem>>) src(%dma_wait3A_185 : memref<2x64xi32, #tpu.memory_space<hbm>>) dst(%arg6 : memref<2x64xi32, #tpu.memory_space<vmem>>)
          tpu.yield
        }) : () -> ()
        %dma_start3A_162 = arith.constant 0 : i32
        %dma_start3A_163 = arith.constant 0 : i32
        %dma_start3A_164 = tpu.memref_slice %arg6[%dma_start3A_162, %dma_start3A_163] : memref<2x64xi32, #tpu.memory_space<vmem>> -> memref<1x64xi32, #tpu.memory_space<vmem>>
        %dma_start3A_165 = tpu.memref_squeeze %dma_start3A_164 : memref<1x64xi32, #tpu.memory_space<vmem>> -> memref<64xi32, #tpu.memory_space<vmem>>
        %dma_start3A_166 = arith.constant 0 : i32
        %dma_start3A_167 = arith.constant 0 : i32
        %dma_start3A_168 = tpu.memref_slice %arg2[%dma_start3A_166, %dma_start3A_167] : memref<10000x128xf32, #tpu.memory_space<hbm>> -> memref<10000x128xf32, #tpu.memory_space<hbm>>
        tpu.enqueue_indirect_dma source(%dma_start3A_168 : memref<10000x128xf32, #tpu.memory_space<hbm>>) target(%arg10 : memref<64x128xf32, #tpu.memory_space<vmem>>) offsets(%dma_start3A_165 : memref<64xi32, #tpu.memory_space<vmem>>) semaphore(%arg15 : memref<!tpu.dma_semaphore, #tpu.memory_space<semaphore_mem>>)
      } else {
      }
      %mul3A_130 = arith.constant 4 : i32
      %mul3A_131 = arith.muli %mul3A_130, %scan3A_43 : i32
      %add3A_132 = arith.constant 3 : i32
      %add3A_133 = arith.addi %mul3A_131, %add3A_132 : i32
      %dma_wait3A_134 = arith.constant 0 : i32
      %dma_wait3A_135 = arith.constant 0 : i32
      %dma_wait3A_136 = tpu.memref_slice %arg9[%dma_wait3A_134, %dma_wait3A_135] : memref<2x64xi32, #tpu.memory_space<vmem>> -> memref<1x64xi32, #tpu.memory_space<vmem>>
      %dma_wait3A_137 = tpu.memref_squeeze %dma_wait3A_136 : memref<1x64xi32, #tpu.memory_space<vmem>> -> memref<64xi32, #tpu.memory_space<vmem>>
      %dma_wait3A_138 = arith.constant 0 : i32
      %dma_wait3A_139 = arith.constant 0 : i32
      %dma_wait3A_140 = tpu.memref_slice %arg2[%dma_wait3A_138, %dma_wait3A_139] : memref<10000x128xf32, #tpu.memory_space<hbm>> -> memref<10000x128xf32, #tpu.memory_space<hbm>>
      tpu.wait_indirect_dma semaphore(%arg18 : memref<!tpu.dma_semaphore, #tpu.memory_space<semaphore_mem>>) src(%dma_wait3A_140 : memref<10000x128xf32, #tpu.memory_space<hbm>>) dst(%arg13 : memref<64x128xf32, #tpu.memory_space<vmem>>)
      %dma_start3A_141 = arith.constant 1 : i32
      %dma_start3A_142 = arith.constant 0 : i32
      %dma_start3A_143 = tpu.memref_slice %arg9[%dma_start3A_141, %dma_start3A_142] : memref<2x64xi32, #tpu.memory_space<vmem>> -> memref<1x64xi32, #tpu.memory_space<vmem>>
      %dma_start3A_144 = tpu.memref_squeeze %dma_start3A_143 : memref<1x64xi32, #tpu.memory_space<vmem>> -> memref<64xi32, #tpu.memory_space<vmem>>
      %dma_start3A_145 = arith.constant 0 : i32
      %dma_start3A_146 = arith.constant 0 : i32
      %dma_start3A_147 = tpu.memref_slice %arg14[%dma_start3A_145, %dma_start3A_146] : memref<10112x128xf32, #tpu.memory_space<vmem_shared>> -> memref<10112x128xf32, #tpu.memory_space<vmem_shared>>
      tpu.enqueue_indirect_dma source(%arg13 : memref<64x128xf32, #tpu.memory_space<vmem>>) target(%dma_start3A_147 : memref<10112x128xf32, #tpu.memory_space<vmem_shared>>) offsets(%dma_start3A_144 : memref<64xi32, #tpu.memory_space<vmem>>) semaphore(%arg22 : memref<!tpu.dma_semaphore, #tpu.memory_space<semaphore_mem>>) {add = true}
      %ge3A_148 = arith.constant 2 : i32
      %ge3A_149 = arith.cmpi sge, %add3A_133, %ge3A_148 : i32
      %convert_element_type3A_150 = arith.extui %ge3A_149 : i1 to i32
      %cond3A_151 = arith.constant 0 : i32
      %cond3A_152 = arith.cmpi ne, %convert_element_type3A_150, %cond3A_151 : i32
      scf.if %cond3A_152 {
        %dma_wait3A_160 = arith.constant 1 : i32
        %dma_wait3A_161 = arith.constant 0 : i32
        %dma_wait3A_162 = tpu.memref_slice %arg7[%dma_wait3A_160, %dma_wait3A_161] : memref<2x64xi32, #tpu.memory_space<vmem>> -> memref<1x64xi32, #tpu.memory_space<vmem>>
        %dma_wait3A_163 = tpu.memref_squeeze %dma_wait3A_162 : memref<1x64xi32, #tpu.memory_space<vmem>> -> memref<64xi32, #tpu.memory_space<vmem>>
        %dma_wait3A_164 = arith.constant 0 : i32
        %dma_wait3A_165 = arith.constant 0 : i32
        %dma_wait3A_166 = tpu.memref_slice %arg14[%dma_wait3A_164, %dma_wait3A_165] : memref<10112x128xf32, #tpu.memory_space<vmem_shared>> -> memref<10112x128xf32, #tpu.memory_space<vmem_shared>>
        tpu.wait_indirect_dma semaphore(%arg20 : memref<!tpu.dma_semaphore, #tpu.memory_space<semaphore_mem>>) src(%arg11 : memref<64x128xf32, #tpu.memory_space<vmem>>) dst(%dma_wait3A_166 : memref<10112x128xf32, #tpu.memory_space<vmem_shared>>)
      } else {
      }
      %add3A_153 = arith.constant 2 : i32
      %add3A_154 = arith.addi %add3A_133, %add3A_153 : i32
      %lt3A_155 = arith.constant 160 : i32
      %lt3A_156 = arith.cmpi slt, %add3A_154, %lt3A_155 : i32
      %convert_element_type3A_157 = arith.extui %lt3A_156 : i1 to i32
      %cond3A_158 = arith.constant 0 : i32
      %cond3A_159 = arith.cmpi ne, %convert_element_type3A_157, %cond3A_158 : i32
      scf.if %cond3A_159 {
        %add3A_160 = arith.constant 2 : i32
        %add3A_161 = arith.addi %add3A_133, %add3A_160 : i32
        "tpu.region"() ({
          %run_scoped3A_169 = tpu.sem_alloc : memref<!tpu.dma_semaphore, #tpu.memory_space<semaphore_mem>>
          %dma_start3A_170 = arith.constant 0 : i32
          %dma_start3A_171 = arith.constant 0 : i32
          %dma_start3A_172 = tpu.memref_slice %arg3[%add3A, %add3A_161, %dma_start3A_170, %dma_start3A_171] : memref<32x160x2x64xi32, #tpu.memory_space<hbm>> -> memref<1x1x2x64xi32, #tpu.memory_space<hbm>>
          %dma_start3A_173 = tpu.memref_squeeze %dma_start3A_172 : memref<1x1x2x64xi32, #tpu.memory_space<hbm>> -> memref<2x64xi32, #tpu.memory_space<hbm>>
          %dma_start3A_174 = arith.constant 0 : i32
          %dma_start3A_175 = arith.constant 0 : i32
          %dma_start3A_176 = tpu.memref_slice %arg3[%add3A, %add3A_161, %dma_start3A_174, %dma_start3A_175] : memref<32x160x2x64xi32, #tpu.memory_space<hbm>> -> memref<1x1x2x64xi32, #tpu.memory_space<hbm>>
          %dma_start3A_177 = tpu.memref_squeeze %dma_start3A_176 : memref<1x1x2x64xi32, #tpu.memory_space<hbm>> -> memref<2x64xi32, #tpu.memory_space<hbm>>
          tpu.enqueue_dma source(%dma_start3A_177 : memref<2x64xi32, #tpu.memory_space<hbm>>) target(%arg7 : memref<2x64xi32, #tpu.memory_space<vmem>>) target_semaphore(%run_scoped3A_169 : memref<!tpu.dma_semaphore, #tpu.memory_space<semaphore_mem>>)
          %dma_wait3A_178 = arith.constant 0 : i32
          %dma_wait3A_179 = arith.constant 0 : i32
          %dma_wait3A_180 = tpu.memref_slice %arg3[%add3A, %add3A_161, %dma_wait3A_178, %dma_wait3A_179] : memref<32x160x2x64xi32, #tpu.memory_space<hbm>> -> memref<1x1x2x64xi32, #tpu.memory_space<hbm>>
          %dma_wait3A_181 = tpu.memref_squeeze %dma_wait3A_180 : memref<1x1x2x64xi32, #tpu.memory_space<hbm>> -> memref<2x64xi32, #tpu.memory_space<hbm>>
          %dma_wait3A_182 = arith.constant 0 : i32
          %dma_wait3A_183 = arith.constant 0 : i32
          %dma_wait3A_184 = tpu.memref_slice %arg3[%add3A, %add3A_161, %dma_wait3A_182, %dma_wait3A_183] : memref<32x160x2x64xi32, #tpu.memory_space<hbm>> -> memref<1x1x2x64xi32, #tpu.memory_space<hbm>>
          %dma_wait3A_185 = tpu.memref_squeeze %dma_wait3A_184 : memref<1x1x2x64xi32, #tpu.memory_space<hbm>> -> memref<2x64xi32, #tpu.memory_space<hbm>>
          tpu.wait_dma2 semaphore(%run_scoped3A_169 : memref<!tpu.dma_semaphore, #tpu.memory_space<semaphore_mem>>) src(%dma_wait3A_185 : memref<2x64xi32, #tpu.memory_space<hbm>>) dst(%arg7 : memref<2x64xi32, #tpu.memory_space<vmem>>)
          tpu.yield
        }) : () -> ()
        %dma_start3A_162 = arith.constant 0 : i32
        %dma_start3A_163 = arith.constant 0 : i32
        %dma_start3A_164 = tpu.memref_slice %arg7[%dma_start3A_162, %dma_start3A_163] : memref<2x64xi32, #tpu.memory_space<vmem>> -> memref<1x64xi32, #tpu.memory_space<vmem>>
        %dma_start3A_165 = tpu.memref_squeeze %dma_start3A_164 : memref<1x64xi32, #tpu.memory_space<vmem>> -> memref<64xi32, #tpu.memory_space<vmem>>
        %dma_start3A_166 = arith.constant 0 : i32
        %dma_start3A_167 = arith.constant 0 : i32
        %dma_start3A_168 = tpu.memref_slice %arg2[%dma_start3A_166, %dma_start3A_167] : memref<10000x128xf32, #tpu.memory_space<hbm>> -> memref<10000x128xf32, #tpu.memory_space<hbm>>
        tpu.enqueue_indirect_dma source(%dma_start3A_168 : memref<10000x128xf32, #tpu.memory_space<hbm>>) target(%arg11 : memref<64x128xf32, #tpu.memory_space<vmem>>) offsets(%dma_start3A_165 : memref<64xi32, #tpu.memory_space<vmem>>) semaphore(%arg16 : memref<!tpu.dma_semaphore, #tpu.memory_space<semaphore_mem>>)
      } else {
      }
    }
    %scan3A_24 = arith.constant 40 : i32
    %dma_wait3A = arith.constant 1 : i32
    %dma_wait3A_25 = arith.constant 0 : i32
    %dma_wait3A_26 = tpu.memref_slice %arg8[%dma_wait3A, %dma_wait3A_25] : memref<2x64xi32, #tpu.memory_space<vmem>> -> memref<1x64xi32, #tpu.memory_space<vmem>>
    %dma_wait3A_27 = tpu.memref_squeeze %dma_wait3A_26 : memref<1x64xi32, #tpu.memory_space<vmem>> -> memref<64xi32, #tpu.memory_space<vmem>>
    %dma_wait3A_28 = arith.constant 0 : i32
    %dma_wait3A_29 = arith.constant 0 : i32
    %dma_wait3A_30 = tpu.memref_slice %arg14[%dma_wait3A_28, %dma_wait3A_29] : memref<10112x128xf32, #tpu.memory_space<vmem_shared>> -> memref<10112x128xf32, #tpu.memory_space<vmem_shared>>
    tpu.wait_indirect_dma semaphore(%arg21 : memref<!tpu.dma_semaphore, #tpu.memory_space<semaphore_mem>>) src(%arg12 : memref<64x128xf32, #tpu.memory_space<vmem>>) dst(%dma_wait3A_30 : memref<10112x128xf32, #tpu.memory_space<vmem_shared>>)
    %dma_wait3A_31 = arith.constant 1 : i32
    %dma_wait3A_32 = arith.constant 0 : i32
    %dma_wait3A_33 = tpu.memref_slice %arg9[%dma_wait3A_31, %dma_wait3A_32] : memref<2x64xi32, #tpu.memory_space<vmem>> -> memref<1x64xi32, #tpu.memory_space<vmem>>
    %dma_wait3A_34 = tpu.memref_squeeze %dma_wait3A_33 : memref<1x64xi32, #tpu.memory_space<vmem>> -> memref<64xi32, #tpu.memory_space<vmem>>
    %dma_wait3A_35 = arith.constant 0 : i32
    %dma_wait3A_36 = arith.constant 0 : i32
    %dma_wait3A_37 = tpu.memref_slice %arg14[%dma_wait3A_35, %dma_wait3A_36] : memref<10112x128xf32, #tpu.memory_space<vmem_shared>> -> memref<10112x128xf32, #tpu.memory_space<vmem_shared>>
    tpu.wait_indirect_dma semaphore(%arg22 : memref<!tpu.dma_semaphore, #tpu.memory_space<semaphore_mem>>) src(%arg13 : memref<64x128xf32, #tpu.memory_space<vmem>>) dst(%dma_wait3A_37 : memref<10112x128xf32, #tpu.memory_space<vmem_shared>>)
    %barrier3A_38 = arith.constant 0 : index
    tpu.barrier barrier_id(%barrier3A_38)
    %mul3A_39 = arith.constant 632 : i32
    %mul3A_40 = arith.muli %arg1, %mul3A_39 : i32
    %mul3A_41 = arith.constant 632 : i32
    %mul3A_42 = arith.muli %arg1, %mul3A_41 : i32
    "tpu.region"() ({
      %run_scoped3A_43 = tpu.sem_alloc : memref<!tpu.dma_semaphore, #tpu.memory_space<semaphore_mem>>
      %dma_start3A_44 = arith.constant 0 : i32
      %dma_start3A_45 = tpu.memref_slice %arg5[%arg0, %mul3A_42, %dma_start3A_44] : memref<2x10112x128xf32, #tpu.memory_space<hbm>> -> memref<1x632x128xf32, #tpu.memory_space<hbm>>
      %dma_start3A_46 = tpu.memref_squeeze %dma_start3A_45 : memref<1x632x128xf32, #tpu.memory_space<hbm>> -> memref<632x128xf32, #tpu.memory_space<hbm>>
      %dma_start3A_47 = arith.constant 0 : i32
      %dma_start3A_48 = tpu.memref_slice %arg14[%mul3A_40, %dma_start3A_47] : memref<10112x128xf32, #tpu.memory_space<vmem_shared>> -> memref<632x128xf32, #tpu.memory_space<vmem_shared>>
      tpu.enqueue_dma source(%dma_start3A_48 : memref<632x128xf32, #tpu.memory_space<vmem_shared>>) target(%dma_start3A_46 : memref<632x128xf32, #tpu.memory_space<hbm>>) target_semaphore(%run_scoped3A_43 : memref<!tpu.dma_semaphore, #tpu.memory_space<semaphore_mem>>)
      %dma_wait3A_49 = arith.constant 0 : i32
      %dma_wait3A_50 = tpu.memref_slice %arg5[%arg0, %mul3A_42, %dma_wait3A_49] : memref<2x10112x128xf32, #tpu.memory_space<hbm>> -> memref<1x632x128xf32, #tpu.memory_space<hbm>>
      %dma_wait3A_51 = tpu.memref_squeeze %dma_wait3A_50 : memref<1x632x128xf32, #tpu.memory_space<hbm>> -> memref<632x128xf32, #tpu.memory_space<hbm>>
      %dma_wait3A_52 = arith.constant 0 : i32
      %dma_wait3A_53 = tpu.memref_slice %arg14[%mul3A_40, %dma_wait3A_52] : memref<10112x128xf32, #tpu.memory_space<vmem_shared>> -> memref<632x128xf32, #tpu.memory_space<vmem_shared>>
      tpu.wait_dma2 semaphore(%run_scoped3A_43 : memref<!tpu.dma_semaphore, #tpu.memory_space<semaphore_mem>>) src(%dma_wait3A_53 : memref<632x128xf32, #tpu.memory_space<vmem_shared>>) dst(%dma_wait3A_51 : memref<632x128xf32, #tpu.memory_space<hbm>>)
      tpu.yield
    }) : () -> ()
    return
  }
}

#map = affine_map<(d0, d1) -> (0, 0)>
#map1 = affine_map<(d0, d1) -> (0, 0, 0, 0)>
#map2 = affine_map<(d0, d1) -> (0, 0, 0)>
module attributes {stable_mosaic.version = 14 : i64} {
  func.func @segsum(%arg0: i32, %arg1: i32, %arg2: memref<10000x128xf32, #tpu.memory_space<hbm>>, %arg3: memref<32x160x2x64xi32, #tpu.memory_space<hbm>>, %arg4: memref<10112x128xf32, #tpu.memory_space<hbm>>, %arg5: memref<2x10112x128xf32, #tpu.memory_space<hbm>>, %arg6: memref<32x10112xf32, #tpu.memory_space<hbm>>, %arg7: memref<2x64xi32, #tpu.memory_space<vmem>>, %arg8: memref<2x64xi32, #tpu.memory_space<vmem>>, %arg9: memref<2x64xi32, #tpu.memory_space<vmem>>, %arg10: memref<2x64xi32, #tpu.memory_space<vmem>>, %arg11: memref<64x128xf32, #tpu.memory_space<vmem>>, %arg12: memref<64x128xf32, #tpu.memory_space<vmem>>, %arg13: memref<64x128xf32, #tpu.memory_space<vmem>>, %arg14: memref<64x128xf32, #tpu.memory_space<vmem>>, %arg15: memref<10112x128xf32, #tpu.memory_space<vmem_shared>>, %arg16: memref<!tpu.dma_semaphore, #tpu.memory_space<semaphore_mem>>, %arg17: memref<!tpu.dma_semaphore, #tpu.memory_space<semaphore_mem>>, %arg18: memref<!tpu.dma_semaphore, #tpu.memory_space<semaphore_mem>>, %arg19: memref<!tpu.dma_semaphore, #tpu.memory_space<semaphore_mem>>, %arg20: memref<!tpu.dma_semaphore, #tpu.memory_space<semaphore_mem>>, %arg21: memref<!tpu.dma_semaphore, #tpu.memory_space<semaphore_mem>>, %arg22: memref<!tpu.dma_semaphore, #tpu.memory_space<semaphore_mem>>, %arg23: memref<!tpu.dma_semaphore, #tpu.memory_space<semaphore_mem>>, %arg24: memref<10112xf32, #tpu.memory_space<vmem>>) attributes {dimension_semantics = [#tpu.dimension_semantics<core_parallel>, #tpu.dimension_semantics<subcore_parallel>], iteration_bounds = array<i64: 2, 16>, scalar_prefetch = 0 : i64, scratch_operands = 18 : i64, tpu.core_type = #tpu.core_type<sc_vector_subcore>, window_params = [{transform_indices = #map}, {transform_indices = #map1}, {transform_indices = #map}, {transform_indices = #map2}, {transform_indices = #map}]} {
    %mul3A = arith.constant 632 : i32
    %mul3A_0 = arith.muli %arg1, %mul3A : i32
    %mul3A_1 = arith.constant 632 : i32
    %mul3A_2 = arith.muli %arg1, %mul3A_1 : i32
    "tpu.region"() ({
      %run_scoped3A_52 = tpu.sem_alloc : memref<!tpu.dma_semaphore, #tpu.memory_space<semaphore_mem>>
      %dma_start3A_53 = arith.constant 0 : i32
      %dma_start3A_54 = tpu.memref_slice %arg15[%mul3A_2, %dma_start3A_53] : memref<10112x128xf32, #tpu.memory_space<vmem_shared>> -> memref<632x128xf32, #tpu.memory_space<vmem_shared>>
      %dma_start3A_55 = arith.constant 0 : i32
      %dma_start3A_56 = tpu.memref_slice %arg4[%mul3A_0, %dma_start3A_55] : memref<10112x128xf32, #tpu.memory_space<hbm>> -> memref<632x128xf32, #tpu.memory_space<hbm>>
      tpu.enqueue_dma source(%dma_start3A_56 : memref<632x128xf32, #tpu.memory_space<hbm>>) target(%dma_start3A_54 : memref<632x128xf32, #tpu.memory_space<vmem_shared>>) target_semaphore(%run_scoped3A_52 : memref<!tpu.dma_semaphore, #tpu.memory_space<semaphore_mem>>)
      %dma_wait3A_57 = arith.constant 0 : i32
      %dma_wait3A_58 = tpu.memref_slice %arg15[%mul3A_2, %dma_wait3A_57] : memref<10112x128xf32, #tpu.memory_space<vmem_shared>> -> memref<632x128xf32, #tpu.memory_space<vmem_shared>>
      %dma_wait3A_59 = arith.constant 0 : i32
      %dma_wait3A_60 = tpu.memref_slice %arg4[%mul3A_0, %dma_wait3A_59] : memref<10112x128xf32, #tpu.memory_space<hbm>> -> memref<632x128xf32, #tpu.memory_space<hbm>>
      tpu.wait_dma2 semaphore(%run_scoped3A_52 : memref<!tpu.dma_semaphore, #tpu.memory_space<semaphore_mem>>) src(%dma_wait3A_60 : memref<632x128xf32, #tpu.memory_space<hbm>>) dst(%dma_wait3A_58 : memref<632x128xf32, #tpu.memory_space<vmem_shared>>)
      tpu.yield
    }) : () -> ()
    %scan3A = arith.constant 0 : i32
    %scan3A_3 = arith.constant 0 : i32
    %scan3A_4 = arith.constant 632 : i32
    %scan3A_5 = arith.addi %scan3A_3, %scan3A_4 : i32
    %scan3A_6 = arith.constant 1 : i32
    scf.for %scan3A_52 = %scan3A_3 to %scan3A_5 step %scan3A_6  : i32 {
      %broadcast_in_dim3A_53 = arith.constant 0.000000e+00 : f32
      %broadcast_in_dim3A_54 = vector.broadcast %broadcast_in_dim3A_53 : f32 to vector<16xf32>
      %mul3A_55 = arith.constant 16 : i32
      %mul3A_56 = arith.muli %scan3A_52, %mul3A_55 : i32
      %swap3A = arith.index_cast %mul3A_56 : i32 to index
      %swap3A_57 = tpu.vector_load %arg24[%swap3A] {strides = array<i32>} : memref<10112xf32, #tpu.memory_space<vmem>>, vector<16xf32>,
      tpu.vector_store %arg24[%swap3A], %broadcast_in_dim3A_54 {strides = array<i32>} : memref<10112xf32, #tpu.memory_space<vmem>>, vector<16xf32>,
    }
    %scan3A_7 = arith.constant 632 : i32
    %barrier3A = arith.constant 0 : index
    tpu.barrier barrier_id(%barrier3A)
    %broadcast_in_dim3A = arith.constant 1.000000e+00 : f32
    %broadcast_in_dim3A_8 = vector.broadcast %broadcast_in_dim3A : f32 to vector<16xf32>
    %mul3A_9 = arith.constant 16 : i32
    %mul3A_10 = arith.muli %arg0, %mul3A_9 : i32
    %add3A = arith.addi %mul3A_10, %arg1 : i32
    %run_scoped3A = arith.constant 0 : i32
    "tpu.region"() ({
      %run_scoped3A_52 = tpu.sem_alloc : memref<!tpu.dma_semaphore, #tpu.memory_space<semaphore_mem>>
      %dma_start3A_53 = arith.constant 0 : i32
      %dma_start3A_54 = arith.constant 0 : i32
      %dma_start3A_55 = tpu.memref_slice %arg3[%add3A, %run_scoped3A, %dma_start3A_53, %dma_start3A_54] : memref<32x160x2x64xi32, #tpu.memory_space<hbm>> -> memref<1x1x2x64xi32, #tpu.memory_space<hbm>>
      %dma_start3A_56 = tpu.memref_squeeze %dma_start3A_55 : memref<1x1x2x64xi32, #tpu.memory_space<hbm>> -> memref<2x64xi32, #tpu.memory_space<hbm>>
      %dma_start3A_57 = arith.constant 0 : i32
      %dma_start3A_58 = arith.constant 0 : i32
      %dma_start3A_59 = tpu.memref_slice %arg3[%add3A, %run_scoped3A, %dma_start3A_57, %dma_start3A_58] : memref<32x160x2x64xi32, #tpu.memory_space<hbm>> -> memref<1x1x2x64xi32, #tpu.memory_space<hbm>>
      %dma_start3A_60 = tpu.memref_squeeze %dma_start3A_59 : memref<1x1x2x64xi32, #tpu.memory_space<hbm>> -> memref<2x64xi32, #tpu.memory_space<hbm>>
      tpu.enqueue_dma source(%dma_start3A_60 : memref<2x64xi32, #tpu.memory_space<hbm>>) target(%arg7 : memref<2x64xi32, #tpu.memory_space<vmem>>) target_semaphore(%run_scoped3A_52 : memref<!tpu.dma_semaphore, #tpu.memory_space<semaphore_mem>>)
      %dma_wait3A_61 = arith.constant 0 : i32
      %dma_wait3A_62 = arith.constant 0 : i32
      %dma_wait3A_63 = tpu.memref_slice %arg3[%add3A, %run_scoped3A, %dma_wait3A_61, %dma_wait3A_62] : memref<32x160x2x64xi32, #tpu.memory_space<hbm>> -> memref<1x1x2x64xi32, #tpu.memory_space<hbm>>
      %dma_wait3A_64 = tpu.memref_squeeze %dma_wait3A_63 : memref<1x1x2x64xi32, #tpu.memory_space<hbm>> -> memref<2x64xi32, #tpu.memory_space<hbm>>
      %dma_wait3A_65 = arith.constant 0 : i32
      %dma_wait3A_66 = arith.constant 0 : i32
      %dma_wait3A_67 = tpu.memref_slice %arg3[%add3A, %run_scoped3A, %dma_wait3A_65, %dma_wait3A_66] : memref<32x160x2x64xi32, #tpu.memory_space<hbm>> -> memref<1x1x2x64xi32, #tpu.memory_space<hbm>>
      %dma_wait3A_68 = tpu.memref_squeeze %dma_wait3A_67 : memref<1x1x2x64xi32, #tpu.memory_space<hbm>> -> memref<2x64xi32, #tpu.memory_space<hbm>>
      tpu.wait_dma2 semaphore(%run_scoped3A_52 : memref<!tpu.dma_semaphore, #tpu.memory_space<semaphore_mem>>) src(%dma_wait3A_68 : memref<2x64xi32, #tpu.memory_space<hbm>>) dst(%arg7 : memref<2x64xi32, #tpu.memory_space<vmem>>)
      tpu.yield
    }) : () -> ()
    %dma_start3A = arith.constant 0 : i32
    %dma_start3A_11 = arith.constant 0 : i32
    %dma_start3A_12 = tpu.memref_slice %arg7[%dma_start3A, %dma_start3A_11] : memref<2x64xi32, #tpu.memory_space<vmem>> -> memref<1x64xi32, #tpu.memory_space<vmem>>
    %dma_start3A_13 = tpu.memref_squeeze %dma_start3A_12 : memref<1x64xi32, #tpu.memory_space<vmem>> -> memref<64xi32, #tpu.memory_space<vmem>>
    %dma_start3A_14 = arith.constant 0 : i32
    %dma_start3A_15 = arith.constant 0 : i32
    %dma_start3A_16 = tpu.memref_slice %arg2[%dma_start3A_14, %dma_start3A_15] : memref<10000x128xf32, #tpu.memory_space<hbm>> -> memref<10000x128xf32, #tpu.memory_space<hbm>>
    tpu.enqueue_indirect_dma source(%dma_start3A_16 : memref<10000x128xf32, #tpu.memory_space<hbm>>) target(%arg11 : memref<64x128xf32, #tpu.memory_space<vmem>>) offsets(%dma_start3A_13 : memref<64xi32, #tpu.memory_space<vmem>>) semaphore(%arg16 : memref<!tpu.dma_semaphore, #tpu.memory_space<semaphore_mem>>)
    %run_scoped3A_17 = arith.constant 1 : i32
    "tpu.region"() ({
      %run_scoped3A_52 = tpu.sem_alloc : memref<!tpu.dma_semaphore, #tpu.memory_space<semaphore_mem>>
      %dma_start3A_53 = arith.constant 0 : i32
      %dma_start3A_54 = arith.constant 0 : i32
      %dma_start3A_55 = tpu.memref_slice %arg3[%add3A, %run_scoped3A_17, %dma_start3A_53, %dma_start3A_54] : memref<32x160x2x64xi32, #tpu.memory_space<hbm>> -> memref<1x1x2x64xi32, #tpu.memory_space<hbm>>
      %dma_start3A_56 = tpu.memref_squeeze %dma_start3A_55 : memref<1x1x2x64xi32, #tpu.memory_space<hbm>> -> memref<2x64xi32, #tpu.memory_space<hbm>>
      %dma_start3A_57 = arith.constant 0 : i32
      %dma_start3A_58 = arith.constant 0 : i32
      %dma_start3A_59 = tpu.memref_slice %arg3[%add3A, %run_scoped3A_17, %dma_start3A_57, %dma_start3A_58] : memref<32x160x2x64xi32, #tpu.memory_space<hbm>> -> memref<1x1x2x64xi32, #tpu.memory_space<hbm>>
      %dma_start3A_60 = tpu.memref_squeeze %dma_start3A_59 : memref<1x1x2x64xi32, #tpu.memory_space<hbm>> -> memref<2x64xi32, #tpu.memory_space<hbm>>
      tpu.enqueue_dma source(%dma_start3A_60 : memref<2x64xi32, #tpu.memory_space<hbm>>) target(%arg8 : memref<2x64xi32, #tpu.memory_space<vmem>>) target_semaphore(%run_scoped3A_52 : memref<!tpu.dma_semaphore, #tpu.memory_space<semaphore_mem>>)
      %dma_wait3A_61 = arith.constant 0 : i32
      %dma_wait3A_62 = arith.constant 0 : i32
      %dma_wait3A_63 = tpu.memref_slice %arg3[%add3A, %run_scoped3A_17, %dma_wait3A_61, %dma_wait3A_62] : memref<32x160x2x64xi32, #tpu.memory_space<hbm>> -> memref<1x1x2x64xi32, #tpu.memory_space<hbm>>
      %dma_wait3A_64 = tpu.memref_squeeze %dma_wait3A_63 : memref<1x1x2x64xi32, #tpu.memory_space<hbm>> -> memref<2x64xi32, #tpu.memory_space<hbm>>
      %dma_wait3A_65 = arith.constant 0 : i32
      %dma_wait3A_66 = arith.constant 0 : i32
      %dma_wait3A_67 = tpu.memref_slice %arg3[%add3A, %run_scoped3A_17, %dma_wait3A_65, %dma_wait3A_66] : memref<32x160x2x64xi32, #tpu.memory_space<hbm>> -> memref<1x1x2x64xi32, #tpu.memory_space<hbm>>
      %dma_wait3A_68 = tpu.memref_squeeze %dma_wait3A_67 : memref<1x1x2x64xi32, #tpu.memory_space<hbm>> -> memref<2x64xi32, #tpu.memory_space<hbm>>
      tpu.wait_dma2 semaphore(%run_scoped3A_52 : memref<!tpu.dma_semaphore, #tpu.memory_space<semaphore_mem>>) src(%dma_wait3A_68 : memref<2x64xi32, #tpu.memory_space<hbm>>) dst(%arg8 : memref<2x64xi32, #tpu.memory_space<vmem>>)
      tpu.yield
    }) : () -> ()
    %dma_start3A_18 = arith.constant 0 : i32
    %dma_start3A_19 = arith.constant 0 : i32
    %dma_start3A_20 = tpu.memref_slice %arg8[%dma_start3A_18, %dma_start3A_19] : memref<2x64xi32, #tpu.memory_space<vmem>> -> memref<1x64xi32, #tpu.memory_space<vmem>>
    %dma_start3A_21 = tpu.memref_squeeze %dma_start3A_20 : memref<1x64xi32, #tpu.memory_space<vmem>> -> memref<64xi32, #tpu.memory_space<vmem>>
    %dma_start3A_22 = arith.constant 0 : i32
    %dma_start3A_23 = arith.constant 0 : i32
    %dma_start3A_24 = tpu.memref_slice %arg2[%dma_start3A_22, %dma_start3A_23] : memref<10000x128xf32, #tpu.memory_space<hbm>> -> memref<10000x128xf32, #tpu.memory_space<hbm>>
    tpu.enqueue_indirect_dma source(%dma_start3A_24 : memref<10000x128xf32, #tpu.memory_space<hbm>>) target(%arg12 : memref<64x128xf32, #tpu.memory_space<vmem>>) offsets(%dma_start3A_21 : memref<64xi32, #tpu.memory_space<vmem>>) semaphore(%arg17 : memref<!tpu.dma_semaphore, #tpu.memory_space<semaphore_mem>>)
    %scan3A_25 = arith.constant 0 : i32
    %scan3A_26 = arith.constant 0 : i32
    %scan3A_27 = arith.constant 40 : i32
    %scan3A_28 = arith.addi %scan3A_26, %scan3A_27 : i32
    %scan3A_29 = arith.constant 1 : i32
    scf.for %scan3A_52 = %scan3A_26 to %scan3A_28 step %scan3A_29  : i32 {
      %mul3A_53 = arith.constant 4 : i32
      %mul3A_54 = arith.muli %mul3A_53, %scan3A_52 : i32
      %add3A_55 = arith.constant 0 : i32
      %add3A_56 = arith.addi %mul3A_54, %add3A_55 : i32
      %dma_wait3A_57 = arith.constant 0 : i32
      %dma_wait3A_58 = arith.constant 0 : i32
      %dma_wait3A_59 = tpu.memref_slice %arg7[%dma_wait3A_57, %dma_wait3A_58] : memref<2x64xi32, #tpu.memory_space<vmem>> -> memref<1x64xi32, #tpu.memory_space<vmem>>
      %dma_wait3A_60 = tpu.memref_squeeze %dma_wait3A_59 : memref<1x64xi32, #tpu.memory_space<vmem>> -> memref<64xi32, #tpu.memory_space<vmem>>
      %dma_wait3A_61 = arith.constant 0 : i32
      %dma_wait3A_62 = arith.constant 0 : i32
      %dma_wait3A_63 = tpu.memref_slice %arg2[%dma_wait3A_61, %dma_wait3A_62] : memref<10000x128xf32, #tpu.memory_space<hbm>> -> memref<10000x128xf32, #tpu.memory_space<hbm>>
      tpu.wait_indirect_dma semaphore(%arg16 : memref<!tpu.dma_semaphore, #tpu.memory_space<semaphore_mem>>) src(%dma_wait3A_63 : memref<10000x128xf32, #tpu.memory_space<hbm>>) dst(%arg11 : memref<64x128xf32, #tpu.memory_space<vmem>>)
      %dma_start3A_64 = arith.constant 1 : i32
      %dma_start3A_65 = arith.constant 0 : i32
      %dma_start3A_66 = tpu.memref_slice %arg7[%dma_start3A_64, %dma_start3A_65] : memref<2x64xi32, #tpu.memory_space<vmem>> -> memref<1x64xi32, #tpu.memory_space<vmem>>
      %dma_start3A_67 = tpu.memref_squeeze %dma_start3A_66 : memref<1x64xi32, #tpu.memory_space<vmem>> -> memref<64xi32, #tpu.memory_space<vmem>>
      %dma_start3A_68 = arith.constant 0 : i32
      %dma_start3A_69 = arith.constant 0 : i32
      %dma_start3A_70 = tpu.memref_slice %arg15[%dma_start3A_68, %dma_start3A_69] : memref<10112x128xf32, #tpu.memory_space<vmem_shared>> -> memref<10112x128xf32, #tpu.memory_space<vmem_shared>>
      tpu.enqueue_indirect_dma source(%arg11 : memref<64x128xf32, #tpu.memory_space<vmem>>) target(%dma_start3A_70 : memref<10112x128xf32, #tpu.memory_space<vmem_shared>>) offsets(%dma_start3A_67 : memref<64xi32, #tpu.memory_space<vmem>>) semaphore(%arg20 : memref<!tpu.dma_semaphore, #tpu.memory_space<semaphore_mem>>) {add = true}
      %get3A = arith.constant 1 : i32
      %get3A_71 = arith.index_cast %get3A : i32 to index
      %get3A_72 = arith.constant 0 : index
      %get3A_73 = tpu.vector_load %arg7[%get3A_71, %get3A_72] {strides = array<i32>} : memref<2x64xi32, #tpu.memory_space<vmem>>, vector<16xi32>,
      tpu.vector_store_idx %arg24[%get3A_73], %broadcast_in_dim3A_8 {add = true} : memref<10112xf32, #tpu.memory_space<vmem>>[vector<16xi32>], vector<16xf32>,
      %get3A_74 = arith.constant 1 : i32
      %get3A_75 = arith.index_cast %get3A_74 : i32 to index
      %get3A_76 = arith.constant 16 : index
      %get3A_77 = tpu.vector_load %arg7[%get3A_75, %get3A_76] {strides = array<i32>} : memref<2x64xi32, #tpu.memory_space<vmem>>, vector<16xi32>,
      tpu.vector_store_idx %arg24[%get3A_77], %broadcast_in_dim3A_8 {add = true} : memref<10112xf32, #tpu.memory_space<vmem>>[vector<16xi32>], vector<16xf32>,
      %get3A_78 = arith.constant 1 : i32
      %get3A_79 = arith.index_cast %get3A_78 : i32 to index
      %get3A_80 = arith.constant 32 : index
      %get3A_81 = tpu.vector_load %arg7[%get3A_79, %get3A_80] {strides = array<i32>} : memref<2x64xi32, #tpu.memory_space<vmem>>, vector<16xi32>,
      tpu.vector_store_idx %arg24[%get3A_81], %broadcast_in_dim3A_8 {add = true} : memref<10112xf32, #tpu.memory_space<vmem>>[vector<16xi32>], vector<16xf32>,
      %get3A_82 = arith.constant 1 : i32
      %get3A_83 = arith.index_cast %get3A_82 : i32 to index
      %get3A_84 = arith.constant 48 : index
      %get3A_85 = tpu.vector_load %arg7[%get3A_83, %get3A_84] {strides = array<i32>} : memref<2x64xi32, #tpu.memory_space<vmem>>, vector<16xi32>,
      tpu.vector_store_idx %arg24[%get3A_85], %broadcast_in_dim3A_8 {add = true} : memref<10112xf32, #tpu.memory_space<vmem>>[vector<16xi32>], vector<16xf32>,
      %ge3A = arith.constant 2 : i32
      %ge3A_86 = arith.cmpi sge, %add3A_56, %ge3A : i32
      %convert_element_type3A = arith.extui %ge3A_86 : i1 to i32
      %cond3A = arith.constant 0 : i32
      %cond3A_87 = arith.cmpi ne, %convert_element_type3A, %cond3A : i32
      scf.if %cond3A_87 {
        %dma_wait3A_232 = arith.constant 1 : i32
        %dma_wait3A_233 = arith.constant 0 : i32
        %dma_wait3A_234 = tpu.memref_slice %arg9[%dma_wait3A_232, %dma_wait3A_233] : memref<2x64xi32, #tpu.memory_space<vmem>> -> memref<1x64xi32, #tpu.memory_space<vmem>>
        %dma_wait3A_235 = tpu.memref_squeeze %dma_wait3A_234 : memref<1x64xi32, #tpu.memory_space<vmem>> -> memref<64xi32, #tpu.memory_space<vmem>>
        %dma_wait3A_236 = arith.constant 0 : i32
        %dma_wait3A_237 = arith.constant 0 : i32
        %dma_wait3A_238 = tpu.memref_slice %arg15[%dma_wait3A_236, %dma_wait3A_237] : memref<10112x128xf32, #tpu.memory_space<vmem_shared>> -> memref<10112x128xf32, #tpu.memory_space<vmem_shared>>
        tpu.wait_indirect_dma semaphore(%arg22 : memref<!tpu.dma_semaphore, #tpu.memory_space<semaphore_mem>>) src(%arg13 : memref<64x128xf32, #tpu.memory_space<vmem>>) dst(%dma_wait3A_238 : memref<10112x128xf32, #tpu.memory_space<vmem_shared>>)
      } else {
      }
      %add3A_88 = arith.constant 2 : i32
      %add3A_89 = arith.addi %add3A_56, %add3A_88 : i32
      %lt3A = arith.constant 160 : i32
      %lt3A_90 = arith.cmpi slt, %add3A_89, %lt3A : i32
      %convert_element_type3A_91 = arith.extui %lt3A_90 : i1 to i32
      %cond3A_92 = arith.constant 0 : i32
      %cond3A_93 = arith.cmpi ne, %convert_element_type3A_91, %cond3A_92 : i32
      scf.if %cond3A_93 {
        %add3A_232 = arith.constant 2 : i32
        %add3A_233 = arith.addi %add3A_56, %add3A_232 : i32
        "tpu.region"() ({
          %run_scoped3A_241 = tpu.sem_alloc : memref<!tpu.dma_semaphore, #tpu.memory_space<semaphore_mem>>
          %dma_start3A_242 = arith.constant 0 : i32
          %dma_start3A_243 = arith.constant 0 : i32
          %dma_start3A_244 = tpu.memref_slice %arg3[%add3A, %add3A_233, %dma_start3A_242, %dma_start3A_243] : memref<32x160x2x64xi32, #tpu.memory_space<hbm>> -> memref<1x1x2x64xi32, #tpu.memory_space<hbm>>
          %dma_start3A_245 = tpu.memref_squeeze %dma_start3A_244 : memref<1x1x2x64xi32, #tpu.memory_space<hbm>> -> memref<2x64xi32, #tpu.memory_space<hbm>>
          %dma_start3A_246 = arith.constant 0 : i32
          %dma_start3A_247 = arith.constant 0 : i32
          %dma_start3A_248 = tpu.memref_slice %arg3[%add3A, %add3A_233, %dma_start3A_246, %dma_start3A_247] : memref<32x160x2x64xi32, #tpu.memory_space<hbm>> -> memref<1x1x2x64xi32, #tpu.memory_space<hbm>>
          %dma_start3A_249 = tpu.memref_squeeze %dma_start3A_248 : memref<1x1x2x64xi32, #tpu.memory_space<hbm>> -> memref<2x64xi32, #tpu.memory_space<hbm>>
          tpu.enqueue_dma source(%dma_start3A_249 : memref<2x64xi32, #tpu.memory_space<hbm>>) target(%arg9 : memref<2x64xi32, #tpu.memory_space<vmem>>) target_semaphore(%run_scoped3A_241 : memref<!tpu.dma_semaphore, #tpu.memory_space<semaphore_mem>>)
          %dma_wait3A_250 = arith.constant 0 : i32
          %dma_wait3A_251 = arith.constant 0 : i32
          %dma_wait3A_252 = tpu.memref_slice %arg3[%add3A, %add3A_233, %dma_wait3A_250, %dma_wait3A_251] : memref<32x160x2x64xi32, #tpu.memory_space<hbm>> -> memref<1x1x2x64xi32, #tpu.memory_space<hbm>>
          %dma_wait3A_253 = tpu.memref_squeeze %dma_wait3A_252 : memref<1x1x2x64xi32, #tpu.memory_space<hbm>> -> memref<2x64xi32, #tpu.memory_space<hbm>>
          %dma_wait3A_254 = arith.constant 0 : i32
          %dma_wait3A_255 = arith.constant 0 : i32
          %dma_wait3A_256 = tpu.memref_slice %arg3[%add3A, %add3A_233, %dma_wait3A_254, %dma_wait3A_255] : memref<32x160x2x64xi32, #tpu.memory_space<hbm>> -> memref<1x1x2x64xi32, #tpu.memory_space<hbm>>
          %dma_wait3A_257 = tpu.memref_squeeze %dma_wait3A_256 : memref<1x1x2x64xi32, #tpu.memory_space<hbm>> -> memref<2x64xi32, #tpu.memory_space<hbm>>
          tpu.wait_dma2 semaphore(%run_scoped3A_241 : memref<!tpu.dma_semaphore, #tpu.memory_space<semaphore_mem>>) src(%dma_wait3A_257 : memref<2x64xi32, #tpu.memory_space<hbm>>) dst(%arg9 : memref<2x64xi32, #tpu.memory_space<vmem>>)
          tpu.yield
        }) : () -> ()
        %dma_start3A_234 = arith.constant 0 : i32
        %dma_start3A_235 = arith.constant 0 : i32
        %dma_start3A_236 = tpu.memref_slice %arg9[%dma_start3A_234, %dma_start3A_235] : memref<2x64xi32, #tpu.memory_space<vmem>> -> memref<1x64xi32, #tpu.memory_space<vmem>>
        %dma_start3A_237 = tpu.memref_squeeze %dma_start3A_236 : memref<1x64xi32, #tpu.memory_space<vmem>> -> memref<64xi32, #tpu.memory_space<vmem>>
        %dma_start3A_238 = arith.constant 0 : i32
        %dma_start3A_239 = arith.constant 0 : i32
        %dma_start3A_240 = tpu.memref_slice %arg2[%dma_start3A_238, %dma_start3A_239] : memref<10000x128xf32, #tpu.memory_space<hbm>> -> memref<10000x128xf32, #tpu.memory_space<hbm>>
        tpu.enqueue_indirect_dma source(%dma_start3A_240 : memref<10000x128xf32, #tpu.memory_space<hbm>>) target(%arg13 : memref<64x128xf32, #tpu.memory_space<vmem>>) offsets(%dma_start3A_237 : memref<64xi32, #tpu.memory_space<vmem>>) semaphore(%arg18 : memref<!tpu.dma_semaphore, #tpu.memory_space<semaphore_mem>>)
      } else {
      }
      %mul3A_94 = arith.constant 4 : i32
      %mul3A_95 = arith.muli %mul3A_94, %scan3A_52 : i32
      %add3A_96 = arith.constant 1 : i32
      %add3A_97 = arith.addi %mul3A_95, %add3A_96 : i32
      %dma_wait3A_98 = arith.constant 0 : i32
      %dma_wait3A_99 = arith.constant 0 : i32
      %dma_wait3A_100 = tpu.memref_slice %arg8[%dma_wait3A_98, %dma_wait3A_99] : memref<2x64xi32, #tpu.memory_space<vmem>> -> memref<1x64xi32, #tpu.memory_space<vmem>>
      %dma_wait3A_101 = tpu.memref_squeeze %dma_wait3A_100 : memref<1x64xi32, #tpu.memory_space<vmem>> -> memref<64xi32, #tpu.memory_space<vmem>>
      %dma_wait3A_102 = arith.constant 0 : i32
      %dma_wait3A_103 = arith.constant 0 : i32
      %dma_wait3A_104 = tpu.memref_slice %arg2[%dma_wait3A_102, %dma_wait3A_103] : memref<10000x128xf32, #tpu.memory_space<hbm>> -> memref<10000x128xf32, #tpu.memory_space<hbm>>
      tpu.wait_indirect_dma semaphore(%arg17 : memref<!tpu.dma_semaphore, #tpu.memory_space<semaphore_mem>>) src(%dma_wait3A_104 : memref<10000x128xf32, #tpu.memory_space<hbm>>) dst(%arg12 : memref<64x128xf32, #tpu.memory_space<vmem>>)
      %dma_start3A_105 = arith.constant 1 : i32
      %dma_start3A_106 = arith.constant 0 : i32
      %dma_start3A_107 = tpu.memref_slice %arg8[%dma_start3A_105, %dma_start3A_106] : memref<2x64xi32, #tpu.memory_space<vmem>> -> memref<1x64xi32, #tpu.memory_space<vmem>>
      %dma_start3A_108 = tpu.memref_squeeze %dma_start3A_107 : memref<1x64xi32, #tpu.memory_space<vmem>> -> memref<64xi32, #tpu.memory_space<vmem>>
      %dma_start3A_109 = arith.constant 0 : i32
      %dma_start3A_110 = arith.constant 0 : i32
      %dma_start3A_111 = tpu.memref_slice %arg15[%dma_start3A_109, %dma_start3A_110] : memref<10112x128xf32, #tpu.memory_space<vmem_shared>> -> memref<10112x128xf32, #tpu.memory_space<vmem_shared>>
      tpu.enqueue_indirect_dma source(%arg12 : memref<64x128xf32, #tpu.memory_space<vmem>>) target(%dma_start3A_111 : memref<10112x128xf32, #tpu.memory_space<vmem_shared>>) offsets(%dma_start3A_108 : memref<64xi32, #tpu.memory_space<vmem>>) semaphore(%arg21 : memref<!tpu.dma_semaphore, #tpu.memory_space<semaphore_mem>>) {add = true}
      %get3A_112 = arith.constant 1 : i32
      %get3A_113 = arith.index_cast %get3A_112 : i32 to index
      %get3A_114 = arith.constant 0 : index
      %get3A_115 = tpu.vector_load %arg8[%get3A_113, %get3A_114] {strides = array<i32>} : memref<2x64xi32, #tpu.memory_space<vmem>>, vector<16xi32>,
      tpu.vector_store_idx %arg24[%get3A_115], %broadcast_in_dim3A_8 {add = true} : memref<10112xf32, #tpu.memory_space<vmem>>[vector<16xi32>], vector<16xf32>,
      %get3A_116 = arith.constant 1 : i32
      %get3A_117 = arith.index_cast %get3A_116 : i32 to index
      %get3A_118 = arith.constant 16 : index
      %get3A_119 = tpu.vector_load %arg8[%get3A_117, %get3A_118] {strides = array<i32>} : memref<2x64xi32, #tpu.memory_space<vmem>>, vector<16xi32>,
      tpu.vector_store_idx %arg24[%get3A_119], %broadcast_in_dim3A_8 {add = true} : memref<10112xf32, #tpu.memory_space<vmem>>[vector<16xi32>], vector<16xf32>,
      %get3A_120 = arith.constant 1 : i32
      %get3A_121 = arith.index_cast %get3A_120 : i32 to index
      %get3A_122 = arith.constant 32 : index
      %get3A_123 = tpu.vector_load %arg8[%get3A_121, %get3A_122] {strides = array<i32>} : memref<2x64xi32, #tpu.memory_space<vmem>>, vector<16xi32>,
      tpu.vector_store_idx %arg24[%get3A_123], %broadcast_in_dim3A_8 {add = true} : memref<10112xf32, #tpu.memory_space<vmem>>[vector<16xi32>], vector<16xf32>,
      %get3A_124 = arith.constant 1 : i32
      %get3A_125 = arith.index_cast %get3A_124 : i32 to index
      %get3A_126 = arith.constant 48 : index
      %get3A_127 = tpu.vector_load %arg8[%get3A_125, %get3A_126] {strides = array<i32>} : memref<2x64xi32, #tpu.memory_space<vmem>>, vector<16xi32>,
      tpu.vector_store_idx %arg24[%get3A_127], %broadcast_in_dim3A_8 {add = true} : memref<10112xf32, #tpu.memory_space<vmem>>[vector<16xi32>], vector<16xf32>,
      %ge3A_128 = arith.constant 2 : i32
      %ge3A_129 = arith.cmpi sge, %add3A_97, %ge3A_128 : i32
      %convert_element_type3A_130 = arith.extui %ge3A_129 : i1 to i32
      %cond3A_131 = arith.constant 0 : i32
      %cond3A_132 = arith.cmpi ne, %convert_element_type3A_130, %cond3A_131 : i32
      scf.if %cond3A_132 {
        %dma_wait3A_232 = arith.constant 1 : i32
        %dma_wait3A_233 = arith.constant 0 : i32
        %dma_wait3A_234 = tpu.memref_slice %arg10[%dma_wait3A_232, %dma_wait3A_233] : memref<2x64xi32, #tpu.memory_space<vmem>> -> memref<1x64xi32, #tpu.memory_space<vmem>>
        %dma_wait3A_235 = tpu.memref_squeeze %dma_wait3A_234 : memref<1x64xi32, #tpu.memory_space<vmem>> -> memref<64xi32, #tpu.memory_space<vmem>>
        %dma_wait3A_236 = arith.constant 0 : i32
        %dma_wait3A_237 = arith.constant 0 : i32
        %dma_wait3A_238 = tpu.memref_slice %arg15[%dma_wait3A_236, %dma_wait3A_237] : memref<10112x128xf32, #tpu.memory_space<vmem_shared>> -> memref<10112x128xf32, #tpu.memory_space<vmem_shared>>
        tpu.wait_indirect_dma semaphore(%arg23 : memref<!tpu.dma_semaphore, #tpu.memory_space<semaphore_mem>>) src(%arg14 : memref<64x128xf32, #tpu.memory_space<vmem>>) dst(%dma_wait3A_238 : memref<10112x128xf32, #tpu.memory_space<vmem_shared>>)
      } else {
      }
      %add3A_133 = arith.constant 2 : i32
      %add3A_134 = arith.addi %add3A_97, %add3A_133 : i32
      %lt3A_135 = arith.constant 160 : i32
      %lt3A_136 = arith.cmpi slt, %add3A_134, %lt3A_135 : i32
      %convert_element_type3A_137 = arith.extui %lt3A_136 : i1 to i32
      %cond3A_138 = arith.constant 0 : i32
      %cond3A_139 = arith.cmpi ne, %convert_element_type3A_137, %cond3A_138 : i32
      scf.if %cond3A_139 {
        %add3A_232 = arith.constant 2 : i32
        %add3A_233 = arith.addi %add3A_97, %add3A_232 : i32
        "tpu.region"() ({
          %run_scoped3A_241 = tpu.sem_alloc : memref<!tpu.dma_semaphore, #tpu.memory_space<semaphore_mem>>
          %dma_start3A_242 = arith.constant 0 : i32
          %dma_start3A_243 = arith.constant 0 : i32
          %dma_start3A_244 = tpu.memref_slice %arg3[%add3A, %add3A_233, %dma_start3A_242, %dma_start3A_243] : memref<32x160x2x64xi32, #tpu.memory_space<hbm>> -> memref<1x1x2x64xi32, #tpu.memory_space<hbm>>
          %dma_start3A_245 = tpu.memref_squeeze %dma_start3A_244 : memref<1x1x2x64xi32, #tpu.memory_space<hbm>> -> memref<2x64xi32, #tpu.memory_space<hbm>>
          %dma_start3A_246 = arith.constant 0 : i32
          %dma_start3A_247 = arith.constant 0 : i32
          %dma_start3A_248 = tpu.memref_slice %arg3[%add3A, %add3A_233, %dma_start3A_246, %dma_start3A_247] : memref<32x160x2x64xi32, #tpu.memory_space<hbm>> -> memref<1x1x2x64xi32, #tpu.memory_space<hbm>>
          %dma_start3A_249 = tpu.memref_squeeze %dma_start3A_248 : memref<1x1x2x64xi32, #tpu.memory_space<hbm>> -> memref<2x64xi32, #tpu.memory_space<hbm>>
          tpu.enqueue_dma source(%dma_start3A_249 : memref<2x64xi32, #tpu.memory_space<hbm>>) target(%arg10 : memref<2x64xi32, #tpu.memory_space<vmem>>) target_semaphore(%run_scoped3A_241 : memref<!tpu.dma_semaphore, #tpu.memory_space<semaphore_mem>>)
          %dma_wait3A_250 = arith.constant 0 : i32
          %dma_wait3A_251 = arith.constant 0 : i32
          %dma_wait3A_252 = tpu.memref_slice %arg3[%add3A, %add3A_233, %dma_wait3A_250, %dma_wait3A_251] : memref<32x160x2x64xi32, #tpu.memory_space<hbm>> -> memref<1x1x2x64xi32, #tpu.memory_space<hbm>>
          %dma_wait3A_253 = tpu.memref_squeeze %dma_wait3A_252 : memref<1x1x2x64xi32, #tpu.memory_space<hbm>> -> memref<2x64xi32, #tpu.memory_space<hbm>>
          %dma_wait3A_254 = arith.constant 0 : i32
          %dma_wait3A_255 = arith.constant 0 : i32
          %dma_wait3A_256 = tpu.memref_slice %arg3[%add3A, %add3A_233, %dma_wait3A_254, %dma_wait3A_255] : memref<32x160x2x64xi32, #tpu.memory_space<hbm>> -> memref<1x1x2x64xi32, #tpu.memory_space<hbm>>
          %dma_wait3A_257 = tpu.memref_squeeze %dma_wait3A_256 : memref<1x1x2x64xi32, #tpu.memory_space<hbm>> -> memref<2x64xi32, #tpu.memory_space<hbm>>
          tpu.wait_dma2 semaphore(%run_scoped3A_241 : memref<!tpu.dma_semaphore, #tpu.memory_space<semaphore_mem>>) src(%dma_wait3A_257 : memref<2x64xi32, #tpu.memory_space<hbm>>) dst(%arg10 : memref<2x64xi32, #tpu.memory_space<vmem>>)
          tpu.yield
        }) : () -> ()
        %dma_start3A_234 = arith.constant 0 : i32
        %dma_start3A_235 = arith.constant 0 : i32
        %dma_start3A_236 = tpu.memref_slice %arg10[%dma_start3A_234, %dma_start3A_235] : memref<2x64xi32, #tpu.memory_space<vmem>> -> memref<1x64xi32, #tpu.memory_space<vmem>>
        %dma_start3A_237 = tpu.memref_squeeze %dma_start3A_236 : memref<1x64xi32, #tpu.memory_space<vmem>> -> memref<64xi32, #tpu.memory_space<vmem>>
        %dma_start3A_238 = arith.constant 0 : i32
        %dma_start3A_239 = arith.constant 0 : i32
        %dma_start3A_240 = tpu.memref_slice %arg2[%dma_start3A_238, %dma_start3A_239] : memref<10000x128xf32, #tpu.memory_space<hbm>> -> memref<10000x128xf32, #tpu.memory_space<hbm>>
        tpu.enqueue_indirect_dma source(%dma_start3A_240 : memref<10000x128xf32, #tpu.memory_space<hbm>>) target(%arg14 : memref<64x128xf32, #tpu.memory_space<vmem>>) offsets(%dma_start3A_237 : memref<64xi32, #tpu.memory_space<vmem>>) semaphore(%arg19 : memref<!tpu.dma_semaphore, #tpu.memory_space<semaphore_mem>>)
      } else {
      }
      %mul3A_140 = arith.constant 4 : i32
      %mul3A_141 = arith.muli %mul3A_140, %scan3A_52 : i32
      %add3A_142 = arith.constant 2 : i32
      %add3A_143 = arith.addi %mul3A_141, %add3A_142 : i32
      %dma_wait3A_144 = arith.constant 0 : i32
      %dma_wait3A_145 = arith.constant 0 : i32
      %dma_wait3A_146 = tpu.memref_slice %arg9[%dma_wait3A_144, %dma_wait3A_145] : memref<2x64xi32, #tpu.memory_space<vmem>> -> memref<1x64xi32, #tpu.memory_space<vmem>>
      %dma_wait3A_147 = tpu.memref_squeeze %dma_wait3A_146 : memref<1x64xi32, #tpu.memory_space<vmem>> -> memref<64xi32, #tpu.memory_space<vmem>>
      %dma_wait3A_148 = arith.constant 0 : i32
      %dma_wait3A_149 = arith.constant 0 : i32
      %dma_wait3A_150 = tpu.memref_slice %arg2[%dma_wait3A_148, %dma_wait3A_149] : memref<10000x128xf32, #tpu.memory_space<hbm>> -> memref<10000x128xf32, #tpu.memory_space<hbm>>
      tpu.wait_indirect_dma semaphore(%arg18 : memref<!tpu.dma_semaphore, #tpu.memory_space<semaphore_mem>>) src(%dma_wait3A_150 : memref<10000x128xf32, #tpu.memory_space<hbm>>) dst(%arg13 : memref<64x128xf32, #tpu.memory_space<vmem>>)
      %dma_start3A_151 = arith.constant 1 : i32
      %dma_start3A_152 = arith.constant 0 : i32
      %dma_start3A_153 = tpu.memref_slice %arg9[%dma_start3A_151, %dma_start3A_152] : memref<2x64xi32, #tpu.memory_space<vmem>> -> memref<1x64xi32, #tpu.memory_space<vmem>>
      %dma_start3A_154 = tpu.memref_squeeze %dma_start3A_153 : memref<1x64xi32, #tpu.memory_space<vmem>> -> memref<64xi32, #tpu.memory_space<vmem>>
      %dma_start3A_155 = arith.constant 0 : i32
      %dma_start3A_156 = arith.constant 0 : i32
      %dma_start3A_157 = tpu.memref_slice %arg15[%dma_start3A_155, %dma_start3A_156] : memref<10112x128xf32, #tpu.memory_space<vmem_shared>> -> memref<10112x128xf32, #tpu.memory_space<vmem_shared>>
      tpu.enqueue_indirect_dma source(%arg13 : memref<64x128xf32, #tpu.memory_space<vmem>>) target(%dma_start3A_157 : memref<10112x128xf32, #tpu.memory_space<vmem_shared>>) offsets(%dma_start3A_154 : memref<64xi32, #tpu.memory_space<vmem>>) semaphore(%arg22 : memref<!tpu.dma_semaphore, #tpu.memory_space<semaphore_mem>>) {add = true}
      %get3A_158 = arith.constant 1 : i32
      %get3A_159 = arith.index_cast %get3A_158 : i32 to index
      %get3A_160 = arith.constant 0 : index
      %get3A_161 = tpu.vector_load %arg9[%get3A_159, %get3A_160] {strides = array<i32>} : memref<2x64xi32, #tpu.memory_space<vmem>>, vector<16xi32>,
      tpu.vector_store_idx %arg24[%get3A_161], %broadcast_in_dim3A_8 {add = true} : memref<10112xf32, #tpu.memory_space<vmem>>[vector<16xi32>], vector<16xf32>,
      %get3A_162 = arith.constant 1 : i32
      %get3A_163 = arith.index_cast %get3A_162 : i32 to index
      %get3A_164 = arith.constant 16 : index
      %get3A_165 = tpu.vector_load %arg9[%get3A_163, %get3A_164] {strides = array<i32>} : memref<2x64xi32, #tpu.memory_space<vmem>>, vector<16xi32>,
      tpu.vector_store_idx %arg24[%get3A_165], %broadcast_in_dim3A_8 {add = true} : memref<10112xf32, #tpu.memory_space<vmem>>[vector<16xi32>], vector<16xf32>,
      %get3A_166 = arith.constant 1 : i32
      %get3A_167 = arith.index_cast %get3A_166 : i32 to index
      %get3A_168 = arith.constant 32 : index
      %get3A_169 = tpu.vector_load %arg9[%get3A_167, %get3A_168] {strides = array<i32>} : memref<2x64xi32, #tpu.memory_space<vmem>>, vector<16xi32>,
      tpu.vector_store_idx %arg24[%get3A_169], %broadcast_in_dim3A_8 {add = true} : memref<10112xf32, #tpu.memory_space<vmem>>[vector<16xi32>], vector<16xf32>,
      %get3A_170 = arith.constant 1 : i32
      %get3A_171 = arith.index_cast %get3A_170 : i32 to index
      %get3A_172 = arith.constant 48 : index
      %get3A_173 = tpu.vector_load %arg9[%get3A_171, %get3A_172] {strides = array<i32>} : memref<2x64xi32, #tpu.memory_space<vmem>>, vector<16xi32>,
      tpu.vector_store_idx %arg24[%get3A_173], %broadcast_in_dim3A_8 {add = true} : memref<10112xf32, #tpu.memory_space<vmem>>[vector<16xi32>], vector<16xf32>,
      %ge3A_174 = arith.constant 2 : i32
      %ge3A_175 = arith.cmpi sge, %add3A_143, %ge3A_174 : i32
      %convert_element_type3A_176 = arith.extui %ge3A_175 : i1 to i32
      %cond3A_177 = arith.constant 0 : i32
      %cond3A_178 = arith.cmpi ne, %convert_element_type3A_176, %cond3A_177 : i32
      scf.if %cond3A_178 {
        %dma_wait3A_232 = arith.constant 1 : i32
        %dma_wait3A_233 = arith.constant 0 : i32
        %dma_wait3A_234 = tpu.memref_slice %arg7[%dma_wait3A_232, %dma_wait3A_233] : memref<2x64xi32, #tpu.memory_space<vmem>> -> memref<1x64xi32, #tpu.memory_space<vmem>>
        %dma_wait3A_235 = tpu.memref_squeeze %dma_wait3A_234 : memref<1x64xi32, #tpu.memory_space<vmem>> -> memref<64xi32, #tpu.memory_space<vmem>>
        %dma_wait3A_236 = arith.constant 0 : i32
        %dma_wait3A_237 = arith.constant 0 : i32
        %dma_wait3A_238 = tpu.memref_slice %arg15[%dma_wait3A_236, %dma_wait3A_237] : memref<10112x128xf32, #tpu.memory_space<vmem_shared>> -> memref<10112x128xf32, #tpu.memory_space<vmem_shared>>
        tpu.wait_indirect_dma semaphore(%arg20 : memref<!tpu.dma_semaphore, #tpu.memory_space<semaphore_mem>>) src(%arg11 : memref<64x128xf32, #tpu.memory_space<vmem>>) dst(%dma_wait3A_238 : memref<10112x128xf32, #tpu.memory_space<vmem_shared>>)
      } else {
      }
      %add3A_179 = arith.constant 2 : i32
      %add3A_180 = arith.addi %add3A_143, %add3A_179 : i32
      %lt3A_181 = arith.constant 160 : i32
      %lt3A_182 = arith.cmpi slt, %add3A_180, %lt3A_181 : i32
      %convert_element_type3A_183 = arith.extui %lt3A_182 : i1 to i32
      %cond3A_184 = arith.constant 0 : i32
      %cond3A_185 = arith.cmpi ne, %convert_element_type3A_183, %cond3A_184 : i32
      scf.if %cond3A_185 {
        %add3A_232 = arith.constant 2 : i32
        %add3A_233 = arith.addi %add3A_143, %add3A_232 : i32
        "tpu.region"() ({
          %run_scoped3A_241 = tpu.sem_alloc : memref<!tpu.dma_semaphore, #tpu.memory_space<semaphore_mem>>
          %dma_start3A_242 = arith.constant 0 : i32
          %dma_start3A_243 = arith.constant 0 : i32
          %dma_start3A_244 = tpu.memref_slice %arg3[%add3A, %add3A_233, %dma_start3A_242, %dma_start3A_243] : memref<32x160x2x64xi32, #tpu.memory_space<hbm>> -> memref<1x1x2x64xi32, #tpu.memory_space<hbm>>
          %dma_start3A_245 = tpu.memref_squeeze %dma_start3A_244 : memref<1x1x2x64xi32, #tpu.memory_space<hbm>> -> memref<2x64xi32, #tpu.memory_space<hbm>>
          %dma_start3A_246 = arith.constant 0 : i32
          %dma_start3A_247 = arith.constant 0 : i32
          %dma_start3A_248 = tpu.memref_slice %arg3[%add3A, %add3A_233, %dma_start3A_246, %dma_start3A_247] : memref<32x160x2x64xi32, #tpu.memory_space<hbm>> -> memref<1x1x2x64xi32, #tpu.memory_space<hbm>>
          %dma_start3A_249 = tpu.memref_squeeze %dma_start3A_248 : memref<1x1x2x64xi32, #tpu.memory_space<hbm>> -> memref<2x64xi32, #tpu.memory_space<hbm>>
          tpu.enqueue_dma source(%dma_start3A_249 : memref<2x64xi32, #tpu.memory_space<hbm>>) target(%arg7 : memref<2x64xi32, #tpu.memory_space<vmem>>) target_semaphore(%run_scoped3A_241 : memref<!tpu.dma_semaphore, #tpu.memory_space<semaphore_mem>>)
          %dma_wait3A_250 = arith.constant 0 : i32
          %dma_wait3A_251 = arith.constant 0 : i32
          %dma_wait3A_252 = tpu.memref_slice %arg3[%add3A, %add3A_233, %dma_wait3A_250, %dma_wait3A_251] : memref<32x160x2x64xi32, #tpu.memory_space<hbm>> -> memref<1x1x2x64xi32, #tpu.memory_space<hbm>>
          %dma_wait3A_253 = tpu.memref_squeeze %dma_wait3A_252 : memref<1x1x2x64xi32, #tpu.memory_space<hbm>> -> memref<2x64xi32, #tpu.memory_space<hbm>>
          %dma_wait3A_254 = arith.constant 0 : i32
          %dma_wait3A_255 = arith.constant 0 : i32
          %dma_wait3A_256 = tpu.memref_slice %arg3[%add3A, %add3A_233, %dma_wait3A_254, %dma_wait3A_255] : memref<32x160x2x64xi32, #tpu.memory_space<hbm>> -> memref<1x1x2x64xi32, #tpu.memory_space<hbm>>
          %dma_wait3A_257 = tpu.memref_squeeze %dma_wait3A_256 : memref<1x1x2x64xi32, #tpu.memory_space<hbm>> -> memref<2x64xi32, #tpu.memory_space<hbm>>
          tpu.wait_dma2 semaphore(%run_scoped3A_241 : memref<!tpu.dma_semaphore, #tpu.memory_space<semaphore_mem>>) src(%dma_wait3A_257 : memref<2x64xi32, #tpu.memory_space<hbm>>) dst(%arg7 : memref<2x64xi32, #tpu.memory_space<vmem>>)
          tpu.yield
        }) : () -> ()
        %dma_start3A_234 = arith.constant 0 : i32
        %dma_start3A_235 = arith.constant 0 : i32
        %dma_start3A_236 = tpu.memref_slice %arg7[%dma_start3A_234, %dma_start3A_235] : memref<2x64xi32, #tpu.memory_space<vmem>> -> memref<1x64xi32, #tpu.memory_space<vmem>>
        %dma_start3A_237 = tpu.memref_squeeze %dma_start3A_236 : memref<1x64xi32, #tpu.memory_space<vmem>> -> memref<64xi32, #tpu.memory_space<vmem>>
        %dma_start3A_238 = arith.constant 0 : i32
        %dma_start3A_239 = arith.constant 0 : i32
        %dma_start3A_240 = tpu.memref_slice %arg2[%dma_start3A_238, %dma_start3A_239] : memref<10000x128xf32, #tpu.memory_space<hbm>> -> memref<10000x128xf32, #tpu.memory_space<hbm>>
        tpu.enqueue_indirect_dma source(%dma_start3A_240 : memref<10000x128xf32, #tpu.memory_space<hbm>>) target(%arg11 : memref<64x128xf32, #tpu.memory_space<vmem>>) offsets(%dma_start3A_237 : memref<64xi32, #tpu.memory_space<vmem>>) semaphore(%arg16 : memref<!tpu.dma_semaphore, #tpu.memory_space<semaphore_mem>>)
      } else {
      }
      %mul3A_186 = arith.constant 4 : i32
      %mul3A_187 = arith.muli %mul3A_186, %scan3A_52 : i32
      %add3A_188 = arith.constant 3 : i32
      %add3A_189 = arith.addi %mul3A_187, %add3A_188 : i32
      %dma_wait3A_190 = arith.constant 0 : i32
      %dma_wait3A_191 = arith.constant 0 : i32
      %dma_wait3A_192 = tpu.memref_slice %arg10[%dma_wait3A_190, %dma_wait3A_191] : memref<2x64xi32, #tpu.memory_space<vmem>> -> memref<1x64xi32, #tpu.memory_space<vmem>>
      %dma_wait3A_193 = tpu.memref_squeeze %dma_wait3A_192 : memref<1x64xi32, #tpu.memory_space<vmem>> -> memref<64xi32, #tpu.memory_space<vmem>>
      %dma_wait3A_194 = arith.constant 0 : i32
      %dma_wait3A_195 = arith.constant 0 : i32
      %dma_wait3A_196 = tpu.memref_slice %arg2[%dma_wait3A_194, %dma_wait3A_195] : memref<10000x128xf32, #tpu.memory_space<hbm>> -> memref<10000x128xf32, #tpu.memory_space<hbm>>
      tpu.wait_indirect_dma semaphore(%arg19 : memref<!tpu.dma_semaphore, #tpu.memory_space<semaphore_mem>>) src(%dma_wait3A_196 : memref<10000x128xf32, #tpu.memory_space<hbm>>) dst(%arg14 : memref<64x128xf32, #tpu.memory_space<vmem>>)
      %dma_start3A_197 = arith.constant 1 : i32
      %dma_start3A_198 = arith.constant 0 : i32
      %dma_start3A_199 = tpu.memref_slice %arg10[%dma_start3A_197, %dma_start3A_198] : memref<2x64xi32, #tpu.memory_space<vmem>> -> memref<1x64xi32, #tpu.memory_space<vmem>>
      %dma_start3A_200 = tpu.memref_squeeze %dma_start3A_199 : memref<1x64xi32, #tpu.memory_space<vmem>> -> memref<64xi32, #tpu.memory_space<vmem>>
      %dma_start3A_201 = arith.constant 0 : i32
      %dma_start3A_202 = arith.constant 0 : i32
      %dma_start3A_203 = tpu.memref_slice %arg15[%dma_start3A_201, %dma_start3A_202] : memref<10112x128xf32, #tpu.memory_space<vmem_shared>> -> memref<10112x128xf32, #tpu.memory_space<vmem_shared>>
      tpu.enqueue_indirect_dma source(%arg14 : memref<64x128xf32, #tpu.memory_space<vmem>>) target(%dma_start3A_203 : memref<10112x128xf32, #tpu.memory_space<vmem_shared>>) offsets(%dma_start3A_200 : memref<64xi32, #tpu.memory_space<vmem>>) semaphore(%arg23 : memref<!tpu.dma_semaphore, #tpu.memory_space<semaphore_mem>>) {add = true}
      %get3A_204 = arith.constant 1 : i32
      %get3A_205 = arith.index_cast %get3A_204 : i32 to index
      %get3A_206 = arith.constant 0 : index
      %get3A_207 = tpu.vector_load %arg10[%get3A_205, %get3A_206] {strides = array<i32>} : memref<2x64xi32, #tpu.memory_space<vmem>>, vector<16xi32>,
      tpu.vector_store_idx %arg24[%get3A_207], %broadcast_in_dim3A_8 {add = true} : memref<10112xf32, #tpu.memory_space<vmem>>[vector<16xi32>], vector<16xf32>,
      %get3A_208 = arith.constant 1 : i32
      %get3A_209 = arith.index_cast %get3A_208 : i32 to index
      %get3A_210 = arith.constant 16 : index
      %get3A_211 = tpu.vector_load %arg10[%get3A_209, %get3A_210] {strides = array<i32>} : memref<2x64xi32, #tpu.memory_space<vmem>>, vector<16xi32>,
      tpu.vector_store_idx %arg24[%get3A_211], %broadcast_in_dim3A_8 {add = true} : memref<10112xf32, #tpu.memory_space<vmem>>[vector<16xi32>], vector<16xf32>,
      %get3A_212 = arith.constant 1 : i32
      %get3A_213 = arith.index_cast %get3A_212 : i32 to index
      %get3A_214 = arith.constant 32 : index
      %get3A_215 = tpu.vector_load %arg10[%get3A_213, %get3A_214] {strides = array<i32>} : memref<2x64xi32, #tpu.memory_space<vmem>>, vector<16xi32>,
      tpu.vector_store_idx %arg24[%get3A_215], %broadcast_in_dim3A_8 {add = true} : memref<10112xf32, #tpu.memory_space<vmem>>[vector<16xi32>], vector<16xf32>,
      %get3A_216 = arith.constant 1 : i32
      %get3A_217 = arith.index_cast %get3A_216 : i32 to index
      %get3A_218 = arith.constant 48 : index
      %get3A_219 = tpu.vector_load %arg10[%get3A_217, %get3A_218] {strides = array<i32>} : memref<2x64xi32, #tpu.memory_space<vmem>>, vector<16xi32>,
      tpu.vector_store_idx %arg24[%get3A_219], %broadcast_in_dim3A_8 {add = true} : memref<10112xf32, #tpu.memory_space<vmem>>[vector<16xi32>], vector<16xf32>,
      %ge3A_220 = arith.constant 2 : i32
      %ge3A_221 = arith.cmpi sge, %add3A_189, %ge3A_220 : i32
      %convert_element_type3A_222 = arith.extui %ge3A_221 : i1 to i32
      %cond3A_223 = arith.constant 0 : i32
      %cond3A_224 = arith.cmpi ne, %convert_element_type3A_222, %cond3A_223 : i32
      scf.if %cond3A_224 {
        %dma_wait3A_232 = arith.constant 1 : i32
        %dma_wait3A_233 = arith.constant 0 : i32
        %dma_wait3A_234 = tpu.memref_slice %arg8[%dma_wait3A_232, %dma_wait3A_233] : memref<2x64xi32, #tpu.memory_space<vmem>> -> memref<1x64xi32, #tpu.memory_space<vmem>>
        %dma_wait3A_235 = tpu.memref_squeeze %dma_wait3A_234 : memref<1x64xi32, #tpu.memory_space<vmem>> -> memref<64xi32, #tpu.memory_space<vmem>>
        %dma_wait3A_236 = arith.constant 0 : i32
        %dma_wait3A_237 = arith.constant 0 : i32
        %dma_wait3A_238 = tpu.memref_slice %arg15[%dma_wait3A_236, %dma_wait3A_237] : memref<10112x128xf32, #tpu.memory_space<vmem_shared>> -> memref<10112x128xf32, #tpu.memory_space<vmem_shared>>
        tpu.wait_indirect_dma semaphore(%arg21 : memref<!tpu.dma_semaphore, #tpu.memory_space<semaphore_mem>>) src(%arg12 : memref<64x128xf32, #tpu.memory_space<vmem>>) dst(%dma_wait3A_238 : memref<10112x128xf32, #tpu.memory_space<vmem_shared>>)
      } else {
      }
      %add3A_225 = arith.constant 2 : i32
      %add3A_226 = arith.addi %add3A_189, %add3A_225 : i32
      %lt3A_227 = arith.constant 160 : i32
      %lt3A_228 = arith.cmpi slt, %add3A_226, %lt3A_227 : i32
      %convert_element_type3A_229 = arith.extui %lt3A_228 : i1 to i32
      %cond3A_230 = arith.constant 0 : i32
      %cond3A_231 = arith.cmpi ne, %convert_element_type3A_229, %cond3A_230 : i32
      scf.if %cond3A_231 {
        %add3A_232 = arith.constant 2 : i32
        %add3A_233 = arith.addi %add3A_189, %add3A_232 : i32
        "tpu.region"() ({
          %run_scoped3A_241 = tpu.sem_alloc : memref<!tpu.dma_semaphore, #tpu.memory_space<semaphore_mem>>
          %dma_start3A_242 = arith.constant 0 : i32
          %dma_start3A_243 = arith.constant 0 : i32
          %dma_start3A_244 = tpu.memref_slice %arg3[%add3A, %add3A_233, %dma_start3A_242, %dma_start3A_243] : memref<32x160x2x64xi32, #tpu.memory_space<hbm>> -> memref<1x1x2x64xi32, #tpu.memory_space<hbm>>
          %dma_start3A_245 = tpu.memref_squeeze %dma_start3A_244 : memref<1x1x2x64xi32, #tpu.memory_space<hbm>> -> memref<2x64xi32, #tpu.memory_space<hbm>>
          %dma_start3A_246 = arith.constant 0 : i32
          %dma_start3A_247 = arith.constant 0 : i32
          %dma_start3A_248 = tpu.memref_slice %arg3[%add3A, %add3A_233, %dma_start3A_246, %dma_start3A_247] : memref<32x160x2x64xi32, #tpu.memory_space<hbm>> -> memref<1x1x2x64xi32, #tpu.memory_space<hbm>>
          %dma_start3A_249 = tpu.memref_squeeze %dma_start3A_248 : memref<1x1x2x64xi32, #tpu.memory_space<hbm>> -> memref<2x64xi32, #tpu.memory_space<hbm>>
          tpu.enqueue_dma source(%dma_start3A_249 : memref<2x64xi32, #tpu.memory_space<hbm>>) target(%arg8 : memref<2x64xi32, #tpu.memory_space<vmem>>) target_semaphore(%run_scoped3A_241 : memref<!tpu.dma_semaphore, #tpu.memory_space<semaphore_mem>>)
          %dma_wait3A_250 = arith.constant 0 : i32
          %dma_wait3A_251 = arith.constant 0 : i32
          %dma_wait3A_252 = tpu.memref_slice %arg3[%add3A, %add3A_233, %dma_wait3A_250, %dma_wait3A_251] : memref<32x160x2x64xi32, #tpu.memory_space<hbm>> -> memref<1x1x2x64xi32, #tpu.memory_space<hbm>>
          %dma_wait3A_253 = tpu.memref_squeeze %dma_wait3A_252 : memref<1x1x2x64xi32, #tpu.memory_space<hbm>> -> memref<2x64xi32, #tpu.memory_space<hbm>>
          %dma_wait3A_254 = arith.constant 0 : i32
          %dma_wait3A_255 = arith.constant 0 : i32
          %dma_wait3A_256 = tpu.memref_slice %arg3[%add3A, %add3A_233, %dma_wait3A_254, %dma_wait3A_255] : memref<32x160x2x64xi32, #tpu.memory_space<hbm>> -> memref<1x1x2x64xi32, #tpu.memory_space<hbm>>
          %dma_wait3A_257 = tpu.memref_squeeze %dma_wait3A_256 : memref<1x1x2x64xi32, #tpu.memory_space<hbm>> -> memref<2x64xi32, #tpu.memory_space<hbm>>
          tpu.wait_dma2 semaphore(%run_scoped3A_241 : memref<!tpu.dma_semaphore, #tpu.memory_space<semaphore_mem>>) src(%dma_wait3A_257 : memref<2x64xi32, #tpu.memory_space<hbm>>) dst(%arg8 : memref<2x64xi32, #tpu.memory_space<vmem>>)
          tpu.yield
        }) : () -> ()
        %dma_start3A_234 = arith.constant 0 : i32
        %dma_start3A_235 = arith.constant 0 : i32
        %dma_start3A_236 = tpu.memref_slice %arg8[%dma_start3A_234, %dma_start3A_235] : memref<2x64xi32, #tpu.memory_space<vmem>> -> memref<1x64xi32, #tpu.memory_space<vmem>>
        %dma_start3A_237 = tpu.memref_squeeze %dma_start3A_236 : memref<1x64xi32, #tpu.memory_space<vmem>> -> memref<64xi32, #tpu.memory_space<vmem>>
        %dma_start3A_238 = arith.constant 0 : i32
        %dma_start3A_239 = arith.constant 0 : i32
        %dma_start3A_240 = tpu.memref_slice %arg2[%dma_start3A_238, %dma_start3A_239] : memref<10000x128xf32, #tpu.memory_space<hbm>> -> memref<10000x128xf32, #tpu.memory_space<hbm>>
        tpu.enqueue_indirect_dma source(%dma_start3A_240 : memref<10000x128xf32, #tpu.memory_space<hbm>>) target(%arg12 : memref<64x128xf32, #tpu.memory_space<vmem>>) offsets(%dma_start3A_237 : memref<64xi32, #tpu.memory_space<vmem>>) semaphore(%arg17 : memref<!tpu.dma_semaphore, #tpu.memory_space<semaphore_mem>>)
      } else {
      }
    }
    %scan3A_30 = arith.constant 40 : i32
    %dma_wait3A = arith.constant 1 : i32
    %dma_wait3A_31 = arith.constant 0 : i32
    %dma_wait3A_32 = tpu.memref_slice %arg9[%dma_wait3A, %dma_wait3A_31] : memref<2x64xi32, #tpu.memory_space<vmem>> -> memref<1x64xi32, #tpu.memory_space<vmem>>
    %dma_wait3A_33 = tpu.memref_squeeze %dma_wait3A_32 : memref<1x64xi32, #tpu.memory_space<vmem>> -> memref<64xi32, #tpu.memory_space<vmem>>
    %dma_wait3A_34 = arith.constant 0 : i32
    %dma_wait3A_35 = arith.constant 0 : i32
    %dma_wait3A_36 = tpu.memref_slice %arg15[%dma_wait3A_34, %dma_wait3A_35] : memref<10112x128xf32, #tpu.memory_space<vmem_shared>> -> memref<10112x128xf32, #tpu.memory_space<vmem_shared>>
    tpu.wait_indirect_dma semaphore(%arg22 : memref<!tpu.dma_semaphore, #tpu.memory_space<semaphore_mem>>) src(%arg13 : memref<64x128xf32, #tpu.memory_space<vmem>>) dst(%dma_wait3A_36 : memref<10112x128xf32, #tpu.memory_space<vmem_shared>>)
    %dma_wait3A_37 = arith.constant 1 : i32
    %dma_wait3A_38 = arith.constant 0 : i32
    %dma_wait3A_39 = tpu.memref_slice %arg10[%dma_wait3A_37, %dma_wait3A_38] : memref<2x64xi32, #tpu.memory_space<vmem>> -> memref<1x64xi32, #tpu.memory_space<vmem>>
    %dma_wait3A_40 = tpu.memref_squeeze %dma_wait3A_39 : memref<1x64xi32, #tpu.memory_space<vmem>> -> memref<64xi32, #tpu.memory_space<vmem>>
    %dma_wait3A_41 = arith.constant 0 : i32
    %dma_wait3A_42 = arith.constant 0 : i32
    %dma_wait3A_43 = tpu.memref_slice %arg15[%dma_wait3A_41, %dma_wait3A_42] : memref<10112x128xf32, #tpu.memory_space<vmem_shared>> -> memref<10112x128xf32, #tpu.memory_space<vmem_shared>>
    tpu.wait_indirect_dma semaphore(%arg23 : memref<!tpu.dma_semaphore, #tpu.memory_space<semaphore_mem>>) src(%arg14 : memref<64x128xf32, #tpu.memory_space<vmem>>) dst(%dma_wait3A_43 : memref<10112x128xf32, #tpu.memory_space<vmem_shared>>)
    %barrier3A_44 = arith.constant 0 : index
    tpu.barrier barrier_id(%barrier3A_44)
    %mul3A_45 = arith.constant 632 : i32
    %mul3A_46 = arith.muli %arg1, %mul3A_45 : i32
    %mul3A_47 = arith.constant 632 : i32
    %mul3A_48 = arith.muli %arg1, %mul3A_47 : i32
    "tpu.region"() ({
      %run_scoped3A_52 = tpu.sem_alloc : memref<!tpu.dma_semaphore, #tpu.memory_space<semaphore_mem>>
      %dma_start3A_53 = arith.constant 0 : i32
      %dma_start3A_54 = tpu.memref_slice %arg5[%arg0, %mul3A_48, %dma_start3A_53] : memref<2x10112x128xf32, #tpu.memory_space<hbm>> -> memref<1x632x128xf32, #tpu.memory_space<hbm>>
      %dma_start3A_55 = tpu.memref_squeeze %dma_start3A_54 : memref<1x632x128xf32, #tpu.memory_space<hbm>> -> memref<632x128xf32, #tpu.memory_space<hbm>>
      %dma_start3A_56 = arith.constant 0 : i32
      %dma_start3A_57 = tpu.memref_slice %arg15[%mul3A_46, %dma_start3A_56] : memref<10112x128xf32, #tpu.memory_space<vmem_shared>> -> memref<632x128xf32, #tpu.memory_space<vmem_shared>>
      tpu.enqueue_dma source(%dma_start3A_57 : memref<632x128xf32, #tpu.memory_space<vmem_shared>>) target(%dma_start3A_55 : memref<632x128xf32, #tpu.memory_space<hbm>>) target_semaphore(%run_scoped3A_52 : memref<!tpu.dma_semaphore, #tpu.memory_space<semaphore_mem>>)
      %dma_wait3A_58 = arith.constant 0 : i32
      %dma_wait3A_59 = tpu.memref_slice %arg5[%arg0, %mul3A_48, %dma_wait3A_58] : memref<2x10112x128xf32, #tpu.memory_space<hbm>> -> memref<1x632x128xf32, #tpu.memory_space<hbm>>
      %dma_wait3A_60 = tpu.memref_squeeze %dma_wait3A_59 : memref<1x632x128xf32, #tpu.memory_space<hbm>> -> memref<632x128xf32, #tpu.memory_space<hbm>>
      %dma_wait3A_61 = arith.constant 0 : i32
      %dma_wait3A_62 = tpu.memref_slice %arg15[%mul3A_46, %dma_wait3A_61] : memref<10112x128xf32, #tpu.memory_space<vmem_shared>> -> memref<632x128xf32, #tpu.memory_space<vmem_shared>>
      tpu.wait_dma2 semaphore(%run_scoped3A_52 : memref<!tpu.dma_semaphore, #tpu.memory_space<semaphore_mem>>) src(%dma_wait3A_62 : memref<632x128xf32, #tpu.memory_space<vmem_shared>>) dst(%dma_wait3A_60 : memref<632x128xf32, #tpu.memory_space<hbm>>)
      tpu.yield
    }) : () -> ()
    %mul3A_49 = arith.constant 16 : i32
    %mul3A_50 = arith.muli %arg0, %mul3A_49 : i32
    %add3A_51 = arith.addi %mul3A_50, %arg1 : i32
    "tpu.region"() ({
      %run_scoped3A_52 = tpu.sem_alloc : memref<!tpu.dma_semaphore, #tpu.memory_space<semaphore_mem>>
      %dma_start3A_53 = arith.constant 0 : i32
      %dma_start3A_54 = tpu.memref_slice %arg6[%add3A_51, %dma_start3A_53] : memref<32x10112xf32, #tpu.memory_space<hbm>> -> memref<1x10112xf32, #tpu.memory_space<hbm>>
      %dma_start3A_55 = tpu.memref_squeeze %dma_start3A_54 : memref<1x10112xf32, #tpu.memory_space<hbm>> -> memref<10112xf32, #tpu.memory_space<hbm>>
      %dma_start3A_56 = arith.constant 0 : i32
      %dma_start3A_57 = tpu.memref_slice %arg6[%add3A_51, %dma_start3A_56] : memref<32x10112xf32, #tpu.memory_space<hbm>> -> memref<1x10112xf32, #tpu.memory_space<hbm>>
      %dma_start3A_58 = tpu.memref_squeeze %dma_start3A_57 : memref<1x10112xf32, #tpu.memory_space<hbm>> -> memref<10112xf32, #tpu.memory_space<hbm>>
      tpu.enqueue_dma source(%arg24 : memref<10112xf32, #tpu.memory_space<vmem>>) target(%dma_start3A_58 : memref<10112xf32, #tpu.memory_space<hbm>>) target_semaphore(%run_scoped3A_52 : memref<!tpu.dma_semaphore, #tpu.memory_space<semaphore_mem>>)
      %dma_wait3A_59 = arith.constant 0 : i32
      %dma_wait3A_60 = tpu.memref_slice %arg6[%add3A_51, %dma_wait3A_59] : memref<32x10112xf32, #tpu.memory_space<hbm>> -> memref<1x10112xf32, #tpu.memory_space<hbm>>
      %dma_wait3A_61 = tpu.memref_squeeze %dma_wait3A_60 : memref<1x10112xf32, #tpu.memory_space<hbm>> -> memref<10112xf32, #tpu.memory_space<hbm>>
      %dma_wait3A_62 = arith.constant 0 : i32
      %dma_wait3A_63 = tpu.memref_slice %arg6[%add3A_51, %dma_wait3A_62] : memref<32x10112xf32, #tpu.memory_space<hbm>> -> memref<1x10112xf32, #tpu.memory_space<hbm>>
      %dma_wait3A_64 = tpu.memref_squeeze %dma_wait3A_63 : memref<1x10112xf32, #tpu.memory_space<hbm>> -> memref<10112xf32, #tpu.memory_space<hbm>>
      tpu.wait_dma2 semaphore(%run_scoped3A_52 : memref<!tpu.dma_semaphore, #tpu.memory_space<semaphore_mem>>) src(%arg24 : memref<10112xf32, #tpu.memory_space<vmem>>) dst(%dma_wait3A_64 : memref<10112xf32, #tpu.memory_space<hbm>>)
      tpu.yield
    }) : () -> ()
    return
  }
}

module attributes {stable_mosaic.version = 14 : i64} {
  func.func @_matmul_t_body(%arg0: memref<10000x128xf32, #tpu.memory_space<vmem>>, %arg1: memref<128x128xf32, #tpu.memory_space<vmem>>, %arg2: memref<10000x128xf32, #tpu.memory_space<vmem>>) attributes {dimension_semantics = [], scalar_prefetch = 0 : i64, scratch_operands = 0 : i64, tpu.core_type = #tpu.core_type<tc>} {
    %get3A = arith.constant 0 : index
    %get3A_0 = arith.constant 0 : index
    %get3A_1 = vector.load %arg0[%get3A, %get3A_0] : memref<10000x128xf32, #tpu.memory_space<vmem>>, vector<10000x128xf32>
    %get3A_2 = arith.constant 0 : index
    %get3A_3 = arith.constant 0 : index
    %get3A_4 = vector.load %arg1[%get3A_2, %get3A_3] : memref<128x128xf32, #tpu.memory_space<vmem>>, vector<128x128xf32>
    %dot_general3A = arith.constant dense<0.000000e+00> : vector<10000x128xf32>
    %dot_general3A_5 = tpu.matmul %get3A_1, %get3A_4, %dot_general3A {dimension_numbers = #tpu.dot_dimension_numbers<[1], [1], [0], [0], [0, 0, 1, 0], [], []>, transpose_lhs_hint = false} : vector<10000x128xf32>, vector<128x128xf32>, vector<10000x128xf32> -> vector<10000x128xf32>
    %swap3A = arith.constant 0 : index
    %swap3A_6 = arith.constant 0 : index
    %swap3A_7 = vector.load %arg2[%swap3A, %swap3A_6] : memref<10000x128xf32, #tpu.memory_space<vmem>>, vector<10000x128xf32>
    tpu.vector_store %arg2[%swap3A, %swap3A_6], %dot_general3A_5 {strides = array<i32>} : memref<10000x128xf32, #tpu.memory_space<vmem>>, vector<10000x128xf32>,
    return
  }
}

module attributes {stable_mosaic.version = 14 : i64} {
  func.func @_combine_body(%arg0: memref<2x10000x128xf32, #tpu.memory_space<vmem>>, %arg1: memref<32x10000xf32, #tpu.memory_space<vmem>>, %arg2: memref<10000x128xf32, #tpu.memory_space<vmem>>, %arg3: memref<128x128xf32, #tpu.memory_space<vmem>>, %arg4: memref<1x128xf32, #tpu.memory_space<vmem>>, %arg5: memref<10000x128xf32, #tpu.memory_space<vmem>>) attributes {dimension_semantics = [], scalar_prefetch = 0 : i64, scratch_operands = 0 : i64, tpu.core_type = #tpu.core_type<tc>} {
    %get3A = arith.constant 0 : index
    %get3A_0 = arith.constant 0 : index
    %get3A_1 = vector.load %arg1[%get3A, %get3A_0] : memref<32x10000xf32, #tpu.memory_space<vmem>>, vector<32x10000xf32>
    %reduce_sum3A = arith.constant dense<0.000000e+00> : vector<10000xf32>
    %reduce_sum3A_2 = vector.multi_reduction <add>, %get3A_1, %reduce_sum3A [0] : vector<32x10000xf32> to vector<10000xf32>
    %reshape3A = vector.shape_cast %reduce_sum3A_2 : vector<10000xf32> to vector<10000x1xf32>
    %get3A_3 = arith.constant 0 : index
    %get3A_4 = arith.constant 0 : index
    %get3A_5 = arith.constant 0 : index
    %get3A_6 = vector.load %arg0[%get3A_3, %get3A_4, %get3A_5] : memref<2x10000x128xf32, #tpu.memory_space<vmem>>, vector<1x10000x128xf32>
    %get3A_7 = vector.shape_cast %get3A_6 : vector<1x10000x128xf32> to vector<10000x128xf32>
    %get3A_8 = arith.constant 1 : index
    %get3A_9 = arith.constant 0 : index
    %get3A_10 = arith.constant 0 : index
    %get3A_11 = vector.load %arg0[%get3A_8, %get3A_9, %get3A_10] : memref<2x10000x128xf32, #tpu.memory_space<vmem>>, vector<1x10000x128xf32>
    %get3A_12 = vector.shape_cast %get3A_11 : vector<1x10000x128xf32> to vector<10000x128xf32>
    %add3A = arith.addf %get3A_7, %get3A_12 : vector<10000x128xf32>
    %max3A = arith.constant 1.000000e+00 : f32
    %max3A_13 = vector.broadcast %max3A : f32 to vector<10000x1xf32>
    %max3A_14 = arith.maximumf %reshape3A, %max3A_13 : vector<10000x1xf32>
    %div3A = vector.broadcast %max3A_14 : vector<10000x1xf32> to vector<10000x128xf32>
    %div3A_15 = arith.divf %add3A, %div3A : vector<10000x128xf32>
    %get3A_16 = arith.constant 0 : index
    %get3A_17 = arith.constant 0 : index
    %get3A_18 = vector.load %arg2[%get3A_16, %get3A_17] : memref<10000x128xf32, #tpu.memory_space<vmem>>, vector<10000x128xf32>
    %get3A_19 = arith.constant 0 : index
    %get3A_20 = arith.constant 0 : index
    %get3A_21 = vector.load %arg3[%get3A_19, %get3A_20] : memref<128x128xf32, #tpu.memory_space<vmem>>, vector<128x128xf32>
    %dot_general3A = arith.constant dense<0.000000e+00> : vector<10000x128xf32>
    %dot_general3A_22 = tpu.matmul %get3A_18, %get3A_21, %dot_general3A {dimension_numbers = #tpu.dot_dimension_numbers<[1], [1], [0], [0], [0, 0, 1, 0], [], []>, transpose_lhs_hint = false} : vector<10000x128xf32>, vector<128x128xf32>, vector<10000x128xf32> -> vector<10000x128xf32>
    %get3A_23 = arith.constant 0 : index
    %get3A_24 = arith.constant 0 : index
    %get3A_25 = vector.load %arg4[%get3A_23, %get3A_24] : memref<1x128xf32, #tpu.memory_space<vmem>>, vector<1x128xf32>
    %add3A_26 = vector.broadcast %get3A_25 : vector<1x128xf32> to vector<10000x128xf32>
    %add3A_27 = arith.addf %div3A_15, %add3A_26 : vector<10000x128xf32>
    %add3A_28 = arith.addf %add3A_27, %dot_general3A_22 : vector<10000x128xf32>
    %max3A_29 = arith.constant 0.000000e+00 : f32
    %max3A_30 = vector.broadcast %max3A_29 : f32 to vector<10000x128xf32>
    %max3A_31 = arith.maximumf %add3A_28, %max3A_30 : vector<10000x128xf32>
    %swap3A = arith.constant 0 : index
    %swap3A_32 = arith.constant 0 : index
    %swap3A_33 = vector.load %arg5[%swap3A, %swap3A_32] : memref<10000x128xf32, #tpu.memory_space<vmem>>, vector<10000x128xf32>
    tpu.vector_store %arg5[%swap3A, %swap3A_32], %max3A_31 {strides = array<i32>} : memref<10000x128xf32, #tpu.memory_space<vmem>>, vector<10000x128xf32>,
    return
  }
}

module attributes {stable_mosaic.version = 14 : i64} {
  func.func @_combine_body(%arg0: memref<2x10000x128xf32, #tpu.memory_space<vmem>>, %arg1: memref<32x10000xf32, #tpu.memory_space<vmem>>, %arg2: memref<10000x128xf32, #tpu.memory_space<vmem>>, %arg3: memref<128x128xf32, #tpu.memory_space<vmem>>, %arg4: memref<1x128xf32, #tpu.memory_space<vmem>>, %arg5: memref<10000x128xf32, #tpu.memory_space<vmem>>) attributes {dimension_semantics = [], scalar_prefetch = 0 : i64, scratch_operands = 0 : i64, tpu.core_type = #tpu.core_type<tc>} {
    %get3A = arith.constant 0 : index
    %get3A_0 = arith.constant 0 : index
    %get3A_1 = vector.load %arg1[%get3A, %get3A_0] : memref<32x10000xf32, #tpu.memory_space<vmem>>, vector<32x10000xf32>
    %reduce_sum3A = arith.constant dense<0.000000e+00> : vector<10000xf32>
    %reduce_sum3A_2 = vector.multi_reduction <add>, %get3A_1, %reduce_sum3A [0] : vector<32x10000xf32> to vector<10000xf32>
    %reshape3A = vector.shape_cast %reduce_sum3A_2 : vector<10000xf32> to vector<10000x1xf32>
    %get3A_3 = arith.constant 0 : index
    %get3A_4 = arith.constant 0 : index
    %get3A_5 = arith.constant 0 : index
    %get3A_6 = vector.load %arg0[%get3A_3, %get3A_4, %get3A_5] : memref<2x10000x128xf32, #tpu.memory_space<vmem>>, vector<1x10000x128xf32>
    %get3A_7 = vector.shape_cast %get3A_6 : vector<1x10000x128xf32> to vector<10000x128xf32>
    %get3A_8 = arith.constant 1 : index
    %get3A_9 = arith.constant 0 : index
    %get3A_10 = arith.constant 0 : index
    %get3A_11 = vector.load %arg0[%get3A_8, %get3A_9, %get3A_10] : memref<2x10000x128xf32, #tpu.memory_space<vmem>>, vector<1x10000x128xf32>
    %get3A_12 = vector.shape_cast %get3A_11 : vector<1x10000x128xf32> to vector<10000x128xf32>
    %add3A = arith.addf %get3A_7, %get3A_12 : vector<10000x128xf32>
    %max3A = arith.constant 1.000000e+00 : f32
    %max3A_13 = vector.broadcast %max3A : f32 to vector<10000x1xf32>
    %max3A_14 = arith.maximumf %reshape3A, %max3A_13 : vector<10000x1xf32>
    %div3A = vector.broadcast %max3A_14 : vector<10000x1xf32> to vector<10000x128xf32>
    %div3A_15 = arith.divf %add3A, %div3A : vector<10000x128xf32>
    %get3A_16 = arith.constant 0 : index
    %get3A_17 = arith.constant 0 : index
    %get3A_18 = vector.load %arg2[%get3A_16, %get3A_17] : memref<10000x128xf32, #tpu.memory_space<vmem>>, vector<10000x128xf32>
    %get3A_19 = arith.constant 0 : index
    %get3A_20 = arith.constant 0 : index
    %get3A_21 = vector.load %arg3[%get3A_19, %get3A_20] : memref<128x128xf32, #tpu.memory_space<vmem>>, vector<128x128xf32>
    %dot_general3A = arith.constant dense<0.000000e+00> : vector<10000x128xf32>
    %dot_general3A_22 = tpu.matmul %get3A_18, %get3A_21, %dot_general3A {dimension_numbers = #tpu.dot_dimension_numbers<[1], [1], [0], [0], [0, 0, 1, 0], [], []>, transpose_lhs_hint = false} : vector<10000x128xf32>, vector<128x128xf32>, vector<10000x128xf32> -> vector<10000x128xf32>
    %get3A_23 = arith.constant 0 : index
    %get3A_24 = arith.constant 0 : index
    %get3A_25 = vector.load %arg4[%get3A_23, %get3A_24] : memref<1x128xf32, #tpu.memory_space<vmem>>, vector<1x128xf32>
    %add3A_26 = vector.broadcast %get3A_25 : vector<1x128xf32> to vector<10000x128xf32>
    %add3A_27 = arith.addf %div3A_15, %add3A_26 : vector<10000x128xf32>
    %add3A_28 = arith.addf %add3A_27, %dot_general3A_22 : vector<10000x128xf32>
    %swap3A = arith.constant 0 : index
    %swap3A_29 = arith.constant 0 : index
    %swap3A_30 = vector.load %arg5[%swap3A, %swap3A_29] : memref<10000x128xf32, #tpu.memory_space<vmem>>, vector<10000x128xf32>
    tpu.vector_store %arg5[%swap3A, %swap3A_29], %add3A_28 {strides = array<i32>} : memref<10000x128xf32, #tpu.memory_space<vmem>>, vector<10000x128xf32>,
    return
  }
}

</mosaic_0001>

<sc_bundles>
// kernel: kernel.11.cloned.1.call-start
scs
__scs_entry_jumppad:
0x0: {  	(pc) =	sbr.rel $0x88, $3  }
0x1: {  	(tag) =	ssettag $0x0;
	lr =	simm.s32 $0x1  }
0x2: {  	[smem:$0x3F99] =	sst lr;
	_ =	strace $0xD0000000  }
0x3: {  	_ = 	snop  }
0x4: {  	_ = 	snop  }
0x5: {  	_ = 	snop  }
0x6: {  	_ = 	snop  }
0x7: {  	_ = 	snop  }
__scs_overlays_trampoline_lowered:
0x8: {  	[smem:$0x3FA8] =	sst s0  }
0x9: {  	[smem:$0x3FA9] =	sst s1  }
0xa: {  	[smem:$0x3FAA] =	sst s2  }
0xb: {  	[smem:$0x3FAB] =	sst s3  }
0xc: {  	[smem:$0x3FAC] =	sst s4  }
0xd: {  	[smem:$0x3FAD] =	sst s5  }
0xe: {  	[smem:$0x3FAE] =	sst s6  }
0xf: {  	[smem:$0x3FAF] =	sst s7  }
0x10: {  	[smem:$0x3FB0] =	sst s8  }
0x11: {  	[smem:$0x3FB1] =	sst s9;
	s0 =	simm.s32 @!p0 $0x0  }
0x12: {  	s1 =	sld [smem:$0x3F97];
	s0 =	simm.s32 @p0 $0x1  }
0x13: {  	[smem:$0x3FB2] =	sst s0;
	s0 =	simm.s32 @!p1 $0x0  }
0x14: {  	s2 =	sld [smem:$0x3F96];
	s0 =	simm.s32 @p1 $0x1  }
0x15: {  	[smem:$0x3FB3] =	sst s0;
	s0 =	simm.s32 @!p2 $0x0  }
0x16: {  	s3 =	sld [smem:$0x3FDB];
	s0 =	simm.s32 @p2 $0x1  }
0x17: {  	s4 =	simm.s32 $0x1BF5;
	[smem:$0x3FB5] =	sst s0  }
0x18: {  	s0 =	sld [smem:$0x3F98];
	_ =	swait.ge [sflag:s4], $0x0  }
0x19: {  	s7 =	sld [smem:$0x3F99]  }
0x1a: {  	s8 =	sadd.s32 $0xFFFFE003, lr  }
0x1b: {  	s9 =	sadd.s32 $0xFFFFFEF7, lr;
	s5 =	simm.s32 $0xFFFFFFFF;
	p2 =	slt.u32 s8, $0xFFFFF086  }
0x1c: {  	p1 =	slt.u32 s9, $0xF7A;
	s5 =	simm.s32 @!p2 $0x0  }
0x1d: {  	s5 =	simm.s32 @p1 $0x1;
	p0 =	seq.s32 s7, s2  }
0x1e: {  	s7 =	smul.u32 @!p0 $0xF7A, s2;
	p2 =	seq.s32 @!p0 s5, $0x0  }
0x1f: {  	s9 =	smul.u32 $0xF7A, s1;
	s8 =	simm.s32 @!p0 $0x1BF5;
	p2 =	por !p2, p0  }
0x20: {  	[sflag:s8] =	ssyncset.s32 @!p0 $0xFFFFF086;
	s6 =	sadd.s32 @!p0 s3, s7;
	s7 =	simm.s32 @!p0 $0x108  }
0x21: {  	s3 =	sadd.s32 s3, s9;
	s6 =	sadd.s32 @!p0 $0x88, s6;
	s7 =	simm.s32 @p2 $0x1082  }
0x22: {  	[simem:s7], [sflag:s8] =	dma.local @!p0 [hbm:s6], $0xF7A  }
0x23: {  	s9 =	sor.u32 $0xD0000000, s2;
	s6 =	simm.s32 $0x108;
	_ =	swait.ge @!p0 [sflag:s8], $0x0  }
0x24: {  	s3 =	sadd.s32 $0x88, s3;
	s6 =	simm.s32 @!p1 $0x1082;
	[sflag:s4] =	ssyncset.s32 $0xFFFFF086  }
0x25: {  	[simem:s6], [sflag:s4] =	dma.local [hbm:s3], $0xF7A  }
0x26: {  	[smem:$0x3F99] =	sst s1;
	(tag) =	ssettag s2;
	_ =	strace s9  }
0x27: {  	s1 =	sld [smem:$0x3FA9]  }
0x28: {  	s2 =	sld [smem:$0x3FAA]  }
0x29: {  	s4 =	sld [smem:$0x3FAC]  }
0x2a: {  	p0 =	seq.s32 s5, $0x0;
	s5 =	sld [smem:$0x3FAD]  }
0x2b: {  	s6 =	sld [smem:$0x3FAE]  }
0x2c: {  	s7 =	sld [smem:$0x3FAF]  }
0x2d: {  	s3 =	simm.s32 $0x108;
	s8 =	sld [smem:$0x3FB0]  }
0x2e: {  	s3 =	simm.s32 @!p0 $0x1082;
	s9 =	sld [smem:$0x3FB1]  }
0x2f: {  	lr =	sadd.s32 s0, s3;
	s0 =	sld [smem:$0x3FA8]  }
0x30: {  	s3 =	sld [smem:$0x3FAB]  }
0x31: {  	[smem:$0x3FB4] =	sst s10  }
0x32: {  	s10 =	sld [smem:$0x3FB2];
	_ =	sdelay $0x3  }
0x33: {  	p0 =	seq.s32 s10, $0x1;
	s10 =	sld [smem:$0x3FB4];
	_ =	sdelay $0x3  }
0x34: {  	[smem:$0x3FB4] =	sst s10  }
0x35: {  	s10 =	sld [smem:$0x3FB3];
	_ =	sdelay $0x3  }
0x36: {  	p1 =	seq.s32 s10, $0x1;
	s10 =	sld [smem:$0x3FB4];
	_ =	sdelay $0x3  }
0x37: {  	[smem:$0x3FB4] =	sst s10  }
0x38: {  	s10 =	sld [smem:$0x3FB5]  }
0x39: {  	_ = 	snop;
	(pc) =	sbr.ind lr, $3  }
0x3a: {  	_ = 	snop  }
0x3b: {  	_ = 	snop  }
0x3c: {  	p2 =	seq.s32 s10, $0x1;
	s10 =	sld [smem:$0x3FB4]  }
0x3d: {  	_ =	shalt  }
0x3e: {  	_ =	shalt  }
0x3f: {  	_ =	shalt  }
0x40: {  	_ =	shalt  }
0x41: {  	_ =	shalt  }
0x42: {  	_ =	shalt  }
0x43: {  	_ =	shalt  }
0x44: {  	_ =	shalt  }
0x45: {  	_ =	shalt  }
0x46: {  	_ =	shalt  }
0x47: {  	_ =	shalt  }
0x48: {  	_ =	shalt  }
0x49: {  	_ =	shalt  }
0x4a: {  	_ =	shalt  }
0x4b: {  	_ =	shalt  }
0x4c: {  	_ =	shalt  }
0x4d: {  	_ =	shalt  }
0x4e: {  	_ =	shalt  }
0x4f: {  	_ =	shalt  }
0x50: {  	_ =	shalt  }
0x51: {  	_ =	shalt  }
0x52: {  	_ =	shalt  }
0x53: {  	_ =	shalt  }
0x54: {  	_ =	shalt  }
0x55: {  	_ =	shalt  }
0x56: {  	_ =	shalt  }
0x57: {  	_ =	shalt  }
0x58: {  	_ =	shalt  }
0x59: {  	_ =	shalt  }
0x5a: {  	_ =	shalt  }
0x5b: {  	_ =	shalt  }
0x5c: {  	_ =	shalt  }
0x5d: {  	_ =	shalt  }
0x5e: {  	_ =	shalt  }
0x5f: {  	_ =	shalt  }
0x60: {  	_ =	shalt  }
0x61: {  	_ =	shalt  }
0x62: {  	_ =	shalt  }
0x63: {  	_ =	shalt  }
0x64: {  	_ =	shalt  }
0x65: {  	_ =	shalt  }
0x66: {  	_ =	shalt  }
0x67: {  	_ =	shalt  }
0x68: {  	_ =	shalt  }
0x69: {  	_ =	shalt  }
0x6a: {  	_ =	shalt  }
0x6b: {  	_ =	shalt  }
0x6c: {  	_ =	shalt  }
0x6d: {  	_ =	shalt  }
0x6e: {  	_ =	shalt  }
0x6f: {  	_ =	shalt  }
0x70: {  	_ =	shalt  }
0x71: {  	_ =	shalt  }
0x72: {  	_ =	shalt  }
0x73: {  	_ =	shalt  }
0x74: {  	_ =	shalt  }
0x75: {  	_ =	shalt  }
0x76: {  	_ =	shalt  }
0x77: {  	_ =	shalt  }
0x78: {  	_ =	shalt  }
0x79: {  	_ =	shalt  }
0x7a: {  	_ =	shalt  }
0x7b: {  	_ =	shalt  }
0x7c: {  	_ =	shalt  }
0x7d: {  	_ =	shalt  }
0x7e: {  	_ =	shalt  }
0x7f: {  	_ =	shalt  }
0x80: {  	_ =	shalt  }
0x81: {  	_ =	shalt  }
0x82: {  	_ =	shalt  }
0x83: {  	_ =	shalt  }
0x84: {  	_ =	shalt  }
0x85: {  	_ =	shalt  }
0x86: {  	_ =	shalt  }
0x87: {  	_ =	shalt  }
.Lfunc_end0:
.L_simem_size_0:
called_computation.1_lowered:
.L_overlay_start_0:
0x88: {  	s2 =	sld [smem:$0x3FD9]  }
0x89: {  	s3 =	sld [smem:$0x3FFE];
	_ =	sdelay $0x1  }
0x8a: {  	s1 =	srdreg.scid  }
0x8b: {  	s0 =	sand.u32 $0x1, s1  }
0x8c: {  	s17 =	sshll.u32 s0, $0xA;
	s2 =	sadd.s32 s3, s2  }
0x8d: {  	s2 =	sadd.s32 s2, s17  }
0x8e: {  	[smem:$0x3FC0] =	sst s2  }
0x8f: {  	_ = 	snop  }
0x90: {  	s2 =	sld [smem:$0x3FD0];
	(tm) =	ssettm $0x1  }
0x91: {  	s18 =	sld [smem:$0x3FFB];
	_ =	sdelay $0x3  }
0x92: {  	_ =	strace s18  }
0x93: {  	s3 =	sld [smem:$0x3FFC];
	_ =	sdelay $0x3  }
0x94: {  	_ =	strace s3  }
0x95: {  	s3 =	sld [smem:$0x3FFD];
	_ =	sdelay $0x3  }
0x96: {  	_ =	strace s3  }
0x97: {  	_ =	strace $0x8FFFFFFF  }
0x98: {  	s19 =	sld [smem:$0x3FDB];
	_ =	sdelay $0x1  }
0x99: {  	s4 =	simm.s32 $_scs_section_size  }
0x9a: {  	s5 =	simm.s32 $_size__tile_overlayer_lowered;
	s6 =	simm.s32 $_tile_overlayer_lowered  }
0x9b: {  	s22 =	simm.s32 $0x1BFF;
	s21 =	sshll.u32 s6, $0x1;
	s3 =	sadd.s32 s4, s19  }
0x9c: {  	s7 =	simm.s32 $0x0;
	s20 =	sshll.u32 s5, $0x1;
	s5 =	sadd.s32 s21, s3  }
0x9d: {  	[timem:s7], [sflag:s22] =	dma.local [hbm:s5], s20  }
0x9e: {  	_ =	swait.ge [sflag:s22], s20  }
0x9f: {  	s4 =	ssub.s32 $0x0, s20;
	[sflag:s22] =	ssyncset.done $0x0  }
0xa0: {  	[sflag:s22] =	ssyncadd.s32 s4;
	_ =	sdelay $0x1  }
0xa1: {  	s23 =	simm.s32 $0x1B8B  }
0xa2: {  	_ =	swait.ge [sflag:s23], $0x1  }
0xa3: {  	[sflag:s23] =	ssyncset.done $0x0  }
0xa4: {  	s25 =	simm.s32 $0x1B8E;
	s24 =	sld [smem:$0x3FFE];
	[sflag:s23] =	ssyncadd.s32 $0xFFFFFFFF  }
0xa5: {  	s26 =	simm.s32 $execute0_lowered;
	[smem:$0x3FD2] =	sst s25  }
0xa6: {  	s5 =	sshll.u32 s26, $0x1;
	_ =	strace $0x80000049;
	[dreg:$0x1] =	wrdreg $0xFFFFFFFF  }
0xa7: {  	s28 =	simm.s32 $_size_execute0_lowered;
	s3 =	sadd.s32 s3, s5;
	[dreg:$0x0] =	wrdreg $0x0  }
0xa8: {  	s5 =	sshll.u32 s28, $0x1;
	[dreg:$0x2] =	wrdreg s3  }
0xa9: {  	[dreg:$0x3] =	wrdreg s5  }
0xaa: {  	[dreg:$0x4] =	wrdreg $0xC0  }
0xab: {  	_ =	task [dreg:s7], $0x5FFFF  }
0xac: {  	[dreg:$0x1] =	wrdreg $0xFFFFFFFF  }
0xad: {  	[dreg:$0x0] =	wrdreg $0x60  }
0xae: {  	[dreg:$0x2] =	wrdreg s2  }
0xaf: {  	[dreg:$0x3] =	wrdreg s24  }
0xb0: {  	[dreg:$0x4] =	wrdreg $0x84000  }
0xb1: {  	[dreg:$0x5] =	wrdreg $0x9  }
0xb2: {  	_ =	task.clear_ibuf [dreg:s7], $0x6FFFF;
	_ =	strace $0x90000049  }
0xb3: {  	s29 =	simm.s32 $0x9;
	_ =	strace $0x8000004B  }
0xb4: {  	_ =	swait.ge [sflag:s29], $0x1  }
0xb5: {  	[sflag:s29] =	ssyncadd.s32 $0xFFFFFFFF  }
0xb6: {  	_ =	strace $0x9000004B  }
0xb7: {  	_ =	sfence  }
0xb8: {  	s30 =	sld [smem:$0x0];
	_ =	sdelay $0x2  }
0xb9: {  	s31 =	sshll.u32 s1, $0xD;
	s1 =	sshrl.u32 s1, $0x2  }
0xba: {  	s3 =	sand.u32 $0x4000, s31;
	s1 =	sadd.s32 s1, s30  }
0xbb: {  	s0 =	sor.u32 s3, s0;
	s1 =	sshll.u32 s1, $0x11  }
0xbc: {  	s0 =	sor.u32 s1, s0  }
0xbd: {  	s0 =	sadd.s32 $0x8F2B, s0  }
0xbe: {  	[sflag:s0] =	ssyncadd.remote.s32 $0x1  }
0xbf: {  	_ =	sfence.sel $0xFFFF  }
0xc0: {  	[dreg:$0x0] =	wrdreg $0xFFFFFFFF;
	(pc) =	sbr.abs _section_cstart, $3  }
0xc1: {  	[dreg:$0x1] =	wrdreg $0xFFFFFFFF  }
0xc2: {  	_ =	task.clear_ibuf [dreg:s7], $0x2FFFF;
	_ =	strace $0x9FFFFFFF  }
0xc3: {  	(tm) =	ssettm $0x7FFFFFFF  }
tec
execute0_lowered:
.L_overlay_start_1:
0x0: {  	(tag) =	ssettag $0x1  }
0x1: {  	s2 =	rddreg [dreg:$0x0]  }
0x2: {  	s0 =	rddreg [dreg:$0x1]  }
0x3: {  	s3 =	rddreg [dreg:$0x2];
	s11 =	stileid.u32  }
0x4: {  	s4 =	simm.s32 $0x0;
	s5 =	srdreg.scid;
	s28 =	simm.s32 $0x300  }
0x5: {  	s29 =	simm.s32 $0x6400;
	s30 =	simm.s32 $0x3;
	s1 =	smul.u32 $0x13C00, s11  }
0x6: {  	s31 =	simm.s32 $0x280;
	[smem:$0x7FF] =	sst s4;
	s16 =	smul.u32 $0x4F000, s11  }
0x7: {  	s5 =	sand.u32 $0x1, s5;
	s8 =	sadd.s32 $0x1E00, s0;
	s18 =	smul.u32 $0xA000, s11  }
0x8: {  	s20 =	sshll.u32 s11, $0x6;
	_ =	strace $0x8000004A;
	s7 =	smul.u32 $0x13C000, s5  }
0x9: {  	s9 =	sshll.u32 s5, $0x4;
	s10 =	ssub.s32 $0x2, s5;
	s5 =	smul.u32 $0xA0000, s5  }
0xa: {  	s6 =	sshrl.u32 s1, $0x3;
	s9 =	sor.u32 s11, s9;
	s17 =	sshrl.u32 s10, $0x1  }
0xb: {  	s6 =	sadd.s32 s6, s0;
	s1 =	sadd.s32 s1, s7;
	s9 =	smul.u32 $0xA000, s9  }
0xc: {  	s7 =	sshrl.u32 s16, $0x2;
	s5 =	sadd.s32 s18, s5;
	s16 =	simm.s32 $0x9  }
0xd: {  	s18 =	simm.s32 $0x400;
	s1 =	sshrl.u32 s1, $0x3;
	s15 =	sadd.s32 s7, s3  }
0xe: {  	s6 =	sadd.s32 $0x29E00, s6;
	s7 =	sor.u32 $0x1C09, s20;
	s21 =	sor.u32 $0x500, s5  }
0xf: {  	s24 =	sor.u32 $0x400, s5;
	s25 =	sor.u32 $0x300, s5;
	s5 =	sor.u32 $0x200, s5  }
0x10: {  	s20 =	simm.s32 $0x2400;
	s0 =	sadd.s32 s1, s0;
	s1 =	ssub.s32 s10, s17  }
0x11: {  	[dreg:$0x4] =	wrdreg s6;
	s19 =	sshrl.u32 s9, $0x3;
	s23 =	sshrl.u32 s21, $0x3  }
0x12: {  	s26 =	sshrl.u32 s5, $0x3;
	s15 =	sshrl.u32 s15, $0x3;
	s17 =	simm.s32 $0x40  }
0x13: {  	s21 =	simm.s32 $0x1;
	s5 =	simm.s32 $0x380;
	s10 =	simm.s32 $0x0  }
0x14: {  	s6 =	sadd.s32 s8, s19;
	s0 =	sadd.s32 $0x51600, s0;
	s22 =	smax.u32 s1, $0x1  }
0x15: {  	s11 =	sadd.s32 s23, s8;
	s1 =	sshrl.u32 s25, $0x3;
	s14 =	sadd.s32 s26, s8  }
0x16: {  	s19 =	simm.s32 $0x100;
	s23 =	simm.s32 $0x200;
	[dreg:$0x5] =	wrdreg s6  }
.Ltmp0:
0x17: {  	s25 =	simm.s32 $0x2;
	[dreg:$0x7] =	wrdreg s0;
	(pc) =	sbr.rel .LBB2_1-.Ltmp0, $4  }
0x18: {  	s26 =	simm.s32 $0x180;
	s6 =	sadd.s32 $0x20, s6;
	[dreg:$0x8] =	wrdreg s22  }
0x19: {  	s0 =	sshrl.u32 s24, $0x3;
	s13 =	sadd.s32 s1, s8;
	s22 =	simm.s32 $0x80  }
0x1a: {  	s24 =	simm.s32 $0x4400;
	s1 =	simm.s32 $0x4;
	[dreg:$0x6] =	wrdreg s6  }
0x1b: {  	s12 =	sadd.s32 s0, s8;
	s0 =	simm.s32 $0x5;
	s8 =	simm.s32 $0x6  }
.LBB2_4:
0x1c: {  	_ =	swait.ge [sflag:s1], $0x2000  }
0x1d: {  	[sflag:s1] =	ssyncset.done $0x0  }
0x1e: {  	[sflag:s1] =	ssyncadd.s32 $0xFFFFE000  }
0x1f: {  	[spmem:s3] =	stream.indirect.scatter.add.f32 [tilespmem:s29], [sflag:$0x8], $0x80, s5, s17, $0xb8;
	[tilespmem:$0x1C000] =	vst v63  }
0x20: {  	_ =	swait.ge [sflag:s8], $0x2000  }
0x21: {  	[sflag:s8] =	ssyncset.done $0x0  }
0x22: {  	s6 =	simm.s32 $0x7;
	[sflag:s8] =	ssyncadd.s32 $0xFFFFE000  }
0x23: {  	_ =	swait.ge [sflag:s6], $0x2000  }
0x24: {  	[sflag:s6] =	ssyncset.done $0x0  }
0x25: {  	s9 =	simm.s32 $0x8;
	[sflag:s6] =	ssyncadd.s32 $0xFFFFE000  }
0x26: {  	_ =	swait.ge [sflag:s9], $0x2000  }
0x27: {  	[sflag:s9] =	ssyncset.done $0x0  }
0x28: {  	[sflag:s9] =	ssyncadd.s32 $0xFFFFE000  }
0x29: {  	[bflag:$0x0] =	sbarrier.arrive $0xFFFF  }
0x2a: {  	s9 =	rddreg [dreg:$0x7]  }
0x2b: {  	[hbm:s9], [sflag:s7] =	dma.local [spmem:s15], $0x2780  }
0x2c: {  	_ =	swait.ge [sflag:s16], $0x2780  }
0x2d: {  	s10 =	sadd.s32 $0x1, s10;
	s9 =	rddreg [dreg:$0x8]  }
0x2e: {  	p0 =	sne.s32 s10, s9  }
.Ltmp1:
0x2f: {  	_ = 	snop;
	(pc) =	sbr.rel @!p0 .LBB2_5-.Ltmp1, $3  }
0x30: {  	_ =	sdelay $0x1  }
0x31: {  	[sflag:s16] =	ssyncset.done $0x0  }
0x32: {  	[sflag:s16] =	ssyncadd.s32 $0xFFFFD880  }
.LBB2_1:
0x33: {  	s6 =	rddreg [dreg:$0x4]  }
0x34: {  	[spmem:s15], [sflag:s7] =	dma.local [hbm:s6], $0x2780  }
0x35: {  	_ =	swait.ge [sflag:s16], $0x2780  }
0x36: {  	[sflag:s16] =	ssyncset.done $0x0  }
0x37: {  	[sflag:s16] =	ssyncadd.s32 $0xFFFFD880  }
0x38: {  	[bflag:$0x0] =	sbarrier.arrive $0xFFFF  }
0x39: {  	s9 =	rddreg [dreg:$0x5]  }
0x3a: {  	[tilespmem:s4], [sflag:$0x9] =	stream.linear.gather [hbm4b:s9+s4], $0x100, $0x38;
	[tilespmem:$0x1C000] =	vst v63  }
0x3b: {  	_ =	swait.ge [sflag:s16], $0x100  }
0x3c: {  	[sflag:s16] =	ssyncset.done $0x0  }
0x3d: {  	[sflag:s16] =	ssyncadd.s32 $0xFFFFFF00  }
0x3e: {  	[tilespmem:s18], [sflag:$0x1] =	stream.indirect.gather [hbm4b:s2+s17], $0x80, s4, s17, $0xb8;
	[tilespmem:$0x1C000] =	vst v63  }
0x3f: {  	s9 =	rddreg [dreg:$0x6]  }
0x40: {  	[tilespmem:s19], [sflag:$0x9] =	stream.linear.gather [hbm4b:s9+s4], $0x100, $0x38;
	[tilespmem:$0x1C000] =	vst v63  }
0x41: {  	_ =	swait.ge [sflag:s16], $0x100  }
0x42: {  	[sflag:s16] =	ssyncset.done $0x0  }
0x43: {  	s6 =	simm.s32 $0x0;
	[sflag:s16] =	ssyncadd.s32 $0xFFFFFF00  }
0x44: {  	[tilespmem:s20], [sflag:$0x2] =	stream.indirect.gather [hbm4b:s2+s17], $0x80, s19, s17, $0xb8;
	[tilespmem:$0x1C000] =	vst v63  }
.LBB2_2:
0x45: {  	_ =	swait.ge [sflag:s21], $0x2000  }
0x46: {  	p0 =	seq.s32 s6, $0x0;
	[sflag:s21] =	ssyncset.done $0x0  }
0x47: {  	s9 =	simm.s32 @!p0 $0x7;
	[sflag:s21] =	ssyncadd.s32 $0xFFFFE000  }
0x48: {  	[spmem:s3] =	stream.indirect.scatter.add.f32 [tilespmem:s18], [sflag:$0x5], $0x80, s22, s17, $0xb8;
	[tilespmem:$0x1C000] =	vst v63  }
0x49: {  	_ =	swait.ge @!p0 [sflag:s9], $0x2000  }
0x4a: {  	[sflag:s9] =	ssyncset.done @!p0 $0x0  }
0x4b: {  	[sflag:s9] =	ssyncadd.s32 @!p0 $0xFFFFE000;
	s9 =	sadd.s32 s6, s14  }
0x4c: {  	[tilespmem:s23], [sflag:$0x9] =	stream.linear.gather [hbm4b:s9+s4], $0x100, $0x38;
	[tilespmem:$0x1C000] =	vst v63  }
0x4d: {  	_ =	swait.ge [sflag:s16], $0x100  }
0x4e: {  	[sflag:s16] =	ssyncset.done $0x0  }
0x4f: {  	[sflag:s16] =	ssyncadd.s32 $0xFFFFFF00  }
0x50: {  	[tilespmem:s24], [sflag:$0x3] =	stream.indirect.gather [hbm4b:s2+s17], $0x80, s23, s17, $0xb8;
	[tilespmem:$0x1C000] =	vst v63  }
0x51: {  	_ =	swait.ge [sflag:s25], $0x2000  }
0x52: {  	[sflag:s25] =	ssyncset.done $0x0  }
0x53: {  	s9 =	simm.s32 @!p0 $0x8;
	[sflag:s25] =	ssyncadd.s32 $0xFFFFE000  }
0x54: {  	[spmem:s3] =	stream.indirect.scatter.add.f32 [tilespmem:s20], [sflag:$0x6], $0x80, s26, s17, $0xb8;
	[tilespmem:$0x1C000] =	vst v63  }
0x55: {  	_ =	swait.ge @!p0 [sflag:s9], $0x2000  }
0x56: {  	[sflag:s9] =	ssyncset.done @!p0 $0x0  }
0x57: {  	[sflag:s9] =	ssyncadd.s32 @!p0 $0xFFFFE000;
	s9 =	sadd.s32 s6, s13  }
0x58: {  	[tilespmem:s28], [sflag:$0x9] =	stream.linear.gather [hbm4b:s9+s4], $0x100, $0x38;
	[tilespmem:$0x1C000] =	vst v63  }
0x59: {  	_ =	swait.ge [sflag:s16], $0x100  }
0x5a: {  	[sflag:s16] =	ssyncset.done $0x0  }
0x5b: {  	[sflag:s16] =	ssyncadd.s32 $0xFFFFFF00  }
0x5c: {  	[tilespmem:s29], [sflag:$0x4] =	stream.indirect.gather [hbm4b:s2+s17], $0x80, s28, s17, $0xb8;
	[tilespmem:$0x1C000] =	vst v63  }
0x5d: {  	_ =	swait.ge [sflag:s30], $0x2000  }
0x5e: {  	p0 =	seq.s32 s6, $0x1380;
	[sflag:s30] =	ssyncset.done $0x0  }
.Ltmp2:
0x5f: {  	[sflag:s30] =	ssyncadd.s32 $0xFFFFE000;
	(pc) =	sbr.rel @p0 .LBB2_4-.Ltmp2, $4  }
0x60: {  	[spmem:s3] =	stream.indirect.scatter.add.f32 [tilespmem:s24], [sflag:$0x7], $0x80, s31, s17, $0xb8;
	[tilespmem:$0x1C000] =	vst v63  }
0x61: {  	_ =	swait.ge [sflag:s0], $0x2000  }
0x62: {  	[sflag:s0] =	ssyncset.done $0x0  }
0x63: {  	[sflag:s0] =	ssyncadd.s32 $0xFFFFE000  }
0x64: {  	s9 =	sadd.s32 s6, s12  }
0x65: {  	[tilespmem:s4], [sflag:$0x9] =	stream.linear.gather [hbm4b:s9+s4], $0x100, $0x38;
	[tilespmem:$0x1C000] =	vst v63  }
0x66: {  	_ =	swait.ge [sflag:s16], $0x100  }
0x67: {  	[sflag:s16] =	ssyncset.done $0x0  }
0x68: {  	[sflag:s16] =	ssyncadd.s32 $0xFFFFFF00  }
0x69: {  	[tilespmem:s18], [sflag:$0x1] =	stream.indirect.gather [hbm4b:s2+s17], $0x80, s4, s17, $0xb8;
	[tilespmem:$0x1C000] =	vst v63  }
0x6a: {  	_ =	swait.ge [sflag:s1], $0x2000  }
0x6b: {  	[sflag:s1] =	ssyncset.done $0x0  }
0x6c: {  	[sflag:s1] =	ssyncadd.s32 $0xFFFFE000  }
0x6d: {  	[spmem:s3] =	stream.indirect.scatter.add.f32 [tilespmem:s29], [sflag:$0x8], $0x80, s5, s17, $0xb8;
	[tilespmem:$0x1C000] =	vst v63  }
0x6e: {  	_ =	swait.ge [sflag:s8], $0x2000  }
0x6f: {  	[sflag:s8] =	ssyncset.done $0x0  }
0x70: {  	s9 =	sadd.s32 s6, s11;
	[sflag:s8] =	ssyncadd.s32 $0xFFFFE000  }
0x71: {  	[tilespmem:s19], [sflag:$0x9] =	stream.linear.gather [hbm4b:s9+s4], $0x100, $0x38;
	[tilespmem:$0x1C000] =	vst v63  }
.Ltmp3:
0x72: {  	_ = 	snop;
	(pc) =	sbr.rel .LBB2_2-.Ltmp3, $4  }
0x73: {  	_ =	swait.ge [sflag:s16], $0x100  }
0x74: {  	[sflag:s16] =	ssyncset.done $0x0  }
0x75: {  	s6 =	sadd.s32 $0x80, s6;
	[sflag:s16] =	ssyncadd.s32 $0xFFFFFF00  }
0x76: {  	[tilespmem:s20], [sflag:$0x2] =	stream.indirect.gather [hbm4b:s2+s17], $0x80, s19, s17, $0xb8;
	[tilespmem:$0x1C000] =	vst v63  }
.LBB2_5:
0x77: {  	_ =	sfence.sel $0x180000  }
0x78: {  	[bflag:$0x0] =	sbarrier.arrive $0xFFFF  }
0x79: {  	_ =	strace $0x9000004A  }
0x7a: {  	s0 =	stileid.u32;
	[bflag:$0x2] =	sbarrier.arrive $0xFFFF  }
0x7b: {  	p0 =	sne.s32 s0, $0x0;
	s0 =	rddreg [dreg:$0x3]  }
0x7c: {  	s0 =	sadd.s32 @!p0 $0x100000, s0  }
0x7d: {  	[sflag:s0] =	ssyncadd.tile.s32 @!p0 $0x1;
	_ =	shalt  }
.Lfunc_end2:
_tile_overlayer_lowered:
.L_overlay_start_2:
0x7e: {  	(tag) =	ssettag $0x2  }
0x7f: {  	s0 =	rddreg [dreg:$0x0];
	s2 =	stileid.u32  }
0x80: {  	s1 =	rddreg [dreg:$0x1];
	p0 =	sne.s32 s2, $0x0  }
0x81: {  	s3 =	rddreg [dreg:$0x2];
	[bflag:$0x3] =	sbarrier.arrive $0xFFFF;
	s2 =	simm.s32 @!p0 $0x1C09  }
0x82: {  	[timem:s3], [sflag:s2] =	dma.local @!p0 [hbm:s0], s1  }
0x83: {  	s0 =	simm.s32 @!p0 $0x9  }
0x84: {  	_ =	swait.ge @!p0 [sflag:s0], s1  }
0x85: {  	s1 =	ssub.s32 @!p0 $0x0, s1;
	[sflag:s0] =	ssyncset.done @!p0 $0x0  }
0x86: {  	[sflag:s0] =	ssyncadd.s32 @!p0 s1  }
0x87: {  	[bflag:$0x3] =	sbarrier.arrive $0xFFFF  }
0x88: {  	_ =	shalt  }

// kernel: kernel.8.cloned.1.call-start
scs
__scs_entry_jumppad:
0x0: {  	(pc) =	sbr.rel $0x88, $3  }
0x1: {  	(tag) =	ssettag $0x0;
	lr =	simm.s32 $0x1  }
0x2: {  	[smem:$0x3F99] =	sst lr;
	_ =	strace $0xD0000000  }
0x3: {  	_ = 	snop  }
0x4: {  	_ = 	snop  }
0x5: {  	_ = 	snop  }
0x6: {  	_ = 	snop  }
0x7: {  	_ = 	snop  }
__scs_overlays_trampoline_lowered:
0x8: {  	[smem:$0x3FA8] =	sst s0  }
0x9: {  	[smem:$0x3FA9] =	sst s1  }
0xa: {  	[smem:$0x3FAA] =	sst s2  }
0xb: {  	[smem:$0x3FAB] =	sst s3  }
0xc: {  	[smem:$0x3FAC] =	sst s4  }
0xd: {  	[smem:$0x3FAD] =	sst s5  }
0xe: {  	[smem:$0x3FAE] =	sst s6  }
0xf: {  	[smem:$0x3FAF] =	sst s7  }
0x10: {  	[smem:$0x3FB0] =	sst s8  }
0x11: {  	[smem:$0x3FB1] =	sst s9;
	s0 =	simm.s32 @!p0 $0x0  }
0x12: {  	s1 =	sld [smem:$0x3F97];
	s0 =	simm.s32 @p0 $0x1  }
0x13: {  	[smem:$0x3FB2] =	sst s0;
	s0 =	simm.s32 @!p1 $0x0  }
0x14: {  	s2 =	sld [smem:$0x3F96];
	s0 =	simm.s32 @p1 $0x1  }
0x15: {  	[smem:$0x3FB3] =	sst s0;
	s0 =	simm.s32 @!p2 $0x0  }
0x16: {  	s3 =	sld [smem:$0x3FDB];
	s0 =	simm.s32 @p2 $0x1  }
0x17: {  	s4 =	simm.s32 $0x1BF5;
	[smem:$0x3FB5] =	sst s0  }
0x18: {  	s0 =	sld [smem:$0x3F98];
	_ =	swait.ge [sflag:s4], $0x0  }
0x19: {  	s7 =	sld [smem:$0x3F99]  }
0x1a: {  	s8 =	sadd.s32 $0xFFFFE003, lr  }
0x1b: {  	s9 =	sadd.s32 $0xFFFFFEF7, lr;
	s5 =	simm.s32 $0xFFFFFFFF;
	p2 =	slt.u32 s8, $0xFFFFF086  }
0x1c: {  	p1 =	slt.u32 s9, $0xF7A;
	s5 =	simm.s32 @!p2 $0x0  }
0x1d: {  	s5 =	simm.s32 @p1 $0x1;
	p0 =	seq.s32 s7, s2  }
0x1e: {  	s7 =	smul.u32 @!p0 $0xF7A, s2;
	p2 =	seq.s32 @!p0 s5, $0x0  }
0x1f: {  	s9 =	smul.u32 $0xF7A, s1;
	s8 =	simm.s32 @!p0 $0x1BF5;
	p2 =	por !p2, p0  }
0x20: {  	[sflag:s8] =	ssyncset.s32 @!p0 $0xFFFFF086;
	s6 =	sadd.s32 @!p0 s3, s7;
	s7 =	simm.s32 @!p0 $0x108  }
0x21: {  	s3 =	sadd.s32 s3, s9;
	s6 =	sadd.s32 @!p0 $0x88, s6;
	s7 =	simm.s32 @p2 $0x1082  }
0x22: {  	[simem:s7], [sflag:s8] =	dma.local @!p0 [hbm:s6], $0xF7A  }
0x23: {  	s9 =	sor.u32 $0xD0000000, s2;
	s6 =	simm.s32 $0x108;
	_ =	swait.ge @!p0 [sflag:s8], $0x0  }
0x24: {  	s3 =	sadd.s32 $0x88, s3;
	s6 =	simm.s32 @!p1 $0x1082;
	[sflag:s4] =	ssyncset.s32 $0xFFFFF086  }
0x25: {  	[simem:s6], [sflag:s4] =	dma.local [hbm:s3], $0xF7A  }
0x26: {  	[smem:$0x3F99] =	sst s1;
	(tag) =	ssettag s2;
	_ =	strace s9  }
0x27: {  	s1 =	sld [smem:$0x3FA9]  }
0x28: {  	s2 =	sld [smem:$0x3FAA]  }
0x29: {  	s4 =	sld [smem:$0x3FAC]  }
0x2a: {  	p0 =	seq.s32 s5, $0x0;
	s5 =	sld [smem:$0x3FAD]  }
0x2b: {  	s6 =	sld [smem:$0x3FAE]  }
0x2c: {  	s7 =	sld [smem:$0x3FAF]  }
0x2d: {  	s3 =	simm.s32 $0x108;
	s8 =	sld [smem:$0x3FB0]  }
0x2e: {  	s3 =	simm.s32 @!p0 $0x1082;
	s9 =	sld [smem:$0x3FB1]  }
0x2f: {  	lr =	sadd.s32 s0, s3;
	s0 =	sld [smem:$0x3FA8]  }
0x30: {  	s3 =	sld [smem:$0x3FAB]  }
0x31: {  	[smem:$0x3FB4] =	sst s10  }
0x32: {  	s10 =	sld [smem:$0x3FB2];
	_ =	sdelay $0x3  }
0x33: {  	p0 =	seq.s32 s10, $0x1;
	s10 =	sld [smem:$0x3FB4];
	_ =	sdelay $0x3  }
0x34: {  	[smem:$0x3FB4] =	sst s10  }
0x35: {  	s10 =	sld [smem:$0x3FB3];
	_ =	sdelay $0x3  }
0x36: {  	p1 =	seq.s32 s10, $0x1;
	s10 =	sld [smem:$0x3FB4];
	_ =	sdelay $0x3  }
0x37: {  	[smem:$0x3FB4] =	sst s10  }
0x38: {  	s10 =	sld [smem:$0x3FB5]  }
0x39: {  	_ = 	snop;
	(pc) =	sbr.ind lr, $3  }
0x3a: {  	_ = 	snop  }
0x3b: {  	_ = 	snop  }
0x3c: {  	p2 =	seq.s32 s10, $0x1;
	s10 =	sld [smem:$0x3FB4]  }
0x3d: {  	_ =	shalt  }
0x3e: {  	_ =	shalt  }
0x3f: {  	_ =	shalt  }
0x40: {  	_ =	shalt  }
0x41: {  	_ =	shalt  }
0x42: {  	_ =	shalt  }
0x43: {  	_ =	shalt  }
0x44: {  	_ =	shalt  }
0x45: {  	_ =	shalt  }
0x46: {  	_ =	shalt  }
0x47: {  	_ =	shalt  }
0x48: {  	_ =	shalt  }
0x49: {  	_ =	shalt  }
0x4a: {  	_ =	shalt  }
0x4b: {  	_ =	shalt  }
0x4c: {  	_ =	shalt  }
0x4d: {  	_ =	shalt  }
0x4e: {  	_ =	shalt  }
0x4f: {  	_ =	shalt  }
0x50: {  	_ =	shalt  }
0x51: {  	_ =	shalt  }
0x52: {  	_ =	shalt  }
0x53: {  	_ =	shalt  }
0x54: {  	_ =	shalt  }
0x55: {  	_ =	shalt  }
0x56: {  	_ =	shalt  }
0x57: {  	_ =	shalt  }
0x58: {  	_ =	shalt  }
0x59: {  	_ =	shalt  }
0x5a: {  	_ =	shalt  }
0x5b: {  	_ =	shalt  }
0x5c: {  	_ =	shalt  }
0x5d: {  	_ =	shalt  }
0x5e: {  	_ =	shalt  }
0x5f: {  	_ =	shalt  }
0x60: {  	_ =	shalt  }
0x61: {  	_ =	shalt  }
0x62: {  	_ =	shalt  }
0x63: {  	_ =	shalt  }
0x64: {  	_ =	shalt  }
0x65: {  	_ =	shalt  }
0x66: {  	_ =	shalt  }
0x67: {  	_ =	shalt  }
0x68: {  	_ =	shalt  }
0x69: {  	_ =	shalt  }
0x6a: {  	_ =	shalt  }
0x6b: {  	_ =	shalt  }
0x6c: {  	_ =	shalt  }
0x6d: {  	_ =	shalt  }
0x6e: {  	_ =	shalt  }
0x6f: {  	_ =	shalt  }
0x70: {  	_ =	shalt  }
0x71: {  	_ =	shalt  }
0x72: {  	_ =	shalt  }
0x73: {  	_ =	shalt  }
0x74: {  	_ =	shalt  }
0x75: {  	_ =	shalt  }
0x76: {  	_ =	shalt  }
0x77: {  	_ =	shalt  }
0x78: {  	_ =	shalt  }
0x79: {  	_ =	shalt  }
0x7a: {  	_ =	shalt  }
0x7b: {  	_ =	shalt  }
0x7c: {  	_ =	shalt  }
0x7d: {  	_ =	shalt  }
0x7e: {  	_ =	shalt  }
0x7f: {  	_ =	shalt  }
0x80: {  	_ =	shalt  }
0x81: {  	_ =	shalt  }
0x82: {  	_ =	shalt  }
0x83: {  	_ =	shalt  }
0x84: {  	_ =	shalt  }
0x85: {  	_ =	shalt  }
0x86: {  	_ =	shalt  }
0x87: {  	_ =	shalt  }
.Lfunc_end0:
.L_simem_size_0:
called_computation_lowered:
.L_overlay_start_0:
0x88: {  	s2 =	sld [smem:$0x3FD9]  }
0x89: {  	s3 =	sld [smem:$0x3FFE];
	_ =	sdelay $0x1  }
0x8a: {  	s1 =	srdreg.scid  }
0x8b: {  	s0 =	sand.u32 $0x1, s1  }
0x8c: {  	s17 =	sshll.u32 s0, $0xA;
	s2 =	sadd.s32 s3, s2  }
0x8d: {  	s2 =	sadd.s32 s2, s17  }
0x8e: {  	[smem:$0x3FC0] =	sst s2  }
0x8f: {  	_ = 	snop  }
0x90: {  	s2 =	sld [smem:$0x3FD0];
	(tm) =	ssettm $0x1  }
0x91: {  	s18 =	sld [smem:$0x3FFB];
	_ =	sdelay $0x3  }
0x92: {  	_ =	strace s18  }
0x93: {  	s3 =	sld [smem:$0x3FFC];
	_ =	sdelay $0x3  }
0x94: {  	_ =	strace s3  }
0x95: {  	s3 =	sld [smem:$0x3FFD];
	_ =	sdelay $0x3  }
0x96: {  	_ =	strace s3  }
0x97: {  	_ =	strace $0x8FFFFFFF  }
0x98: {  	s19 =	sld [smem:$0x3FDB];
	_ =	sdelay $0x1  }
0x99: {  	s4 =	simm.s32 $_scs_section_size  }
0x9a: {  	s5 =	simm.s32 $_size__tile_overlayer_lowered;
	s6 =	simm.s32 $_tile_overlayer_lowered  }
0x9b: {  	s22 =	simm.s32 $0x1BFF;
	s21 =	sshll.u32 s6, $0x1;
	s3 =	sadd.s32 s4, s19  }
0x9c: {  	s7 =	simm.s32 $0x0;
	s20 =	sshll.u32 s5, $0x1;
	s5 =	sadd.s32 s21, s3  }
0x9d: {  	[timem:s7], [sflag:s22] =	dma.local [hbm:s5], s20  }
0x9e: {  	_ =	swait.ge [sflag:s22], s20  }
0x9f: {  	s4 =	ssub.s32 $0x0, s20;
	[sflag:s22] =	ssyncset.done $0x0  }
0xa0: {  	[sflag:s22] =	ssyncadd.s32 s4;
	_ =	sdelay $0x1  }
0xa1: {  	s23 =	simm.s32 $0x1B8B  }
0xa2: {  	_ =	swait.ge [sflag:s23], $0x1  }
0xa3: {  	[sflag:s23] =	ssyncset.done $0x0  }
0xa4: {  	s25 =	simm.s32 $0x1B8E;
	s24 =	sld [smem:$0x3FFE];
	[sflag:s23] =	ssyncadd.s32 $0xFFFFFFFF  }
0xa5: {  	s26 =	simm.s32 $execute0_lowered;
	[smem:$0x3FD2] =	sst s25  }
0xa6: {  	s5 =	sshll.u32 s26, $0x1;
	_ =	strace $0x80000046;
	[dreg:$0x1] =	wrdreg $0xFFFFFFFF  }
0xa7: {  	s28 =	simm.s32 $_size_execute0_lowered;
	s3 =	sadd.s32 s3, s5;
	[dreg:$0x0] =	wrdreg $0x0  }
0xa8: {  	s5 =	sshll.u32 s28, $0x1;
	[dreg:$0x2] =	wrdreg s3  }
0xa9: {  	[dreg:$0x3] =	wrdreg s5  }
0xaa: {  	[dreg:$0x4] =	wrdreg $0xC0  }
0xab: {  	_ =	task [dreg:s7], $0x5FFFF  }
0xac: {  	[dreg:$0x1] =	wrdreg $0xFFFFFFFF  }
0xad: {  	[dreg:$0x0] =	wrdreg $0x60  }
0xae: {  	[dreg:$0x2] =	wrdreg s2  }
0xaf: {  	[dreg:$0x3] =	wrdreg s24  }
0xb0: {  	[dreg:$0x4] =	wrdreg $0x84000  }
0xb1: {  	[dreg:$0x5] =	wrdreg $0x9  }
0xb2: {  	_ =	task.clear_ibuf [dreg:s7], $0x6FFFF;
	_ =	strace $0x90000046  }
0xb3: {  	s29 =	simm.s32 $0x9;
	_ =	strace $0x80000048  }
0xb4: {  	_ =	swait.ge [sflag:s29], $0x1  }
0xb5: {  	[sflag:s29] =	ssyncadd.s32 $0xFFFFFFFF  }
0xb6: {  	_ =	strace $0x90000048  }
0xb7: {  	_ =	sfence  }
0xb8: {  	s30 =	sld [smem:$0x0];
	_ =	sdelay $0x2  }
0xb9: {  	s31 =	sshll.u32 s1, $0xD;
	s1 =	sshrl.u32 s1, $0x2  }
0xba: {  	s3 =	sand.u32 $0x4000, s31;
	s1 =	sadd.s32 s1, s30  }
0xbb: {  	s0 =	sor.u32 s3, s0;
	s1 =	sshll.u32 s1, $0x11  }
0xbc: {  	s0 =	sor.u32 s1, s0  }
0xbd: {  	s0 =	sadd.s32 $0x8F2B, s0  }
0xbe: {  	[sflag:s0] =	ssyncadd.remote.s32 $0x1  }
0xbf: {  	_ =	sfence.sel $0xFFFF  }
0xc0: {  	[dreg:$0x0] =	wrdreg $0xFFFFFFFF;
	(pc) =	sbr.abs _section_cstart, $3  }
0xc1: {  	[dreg:$0x1] =	wrdreg $0xFFFFFFFF  }
0xc2: {  	_ =	task.clear_ibuf [dreg:s7], $0x2FFFF;
	_ =	strace $0x9FFFFFFF  }
0xc3: {  	(tm) =	ssettm $0x7FFFFFFF  }
tec
execute0_lowered:
.L_overlay_start_1:
0x0: {  	(tag) =	ssettag $0x1  }
0x1: {  	s1 =	rddreg [dreg:$0x0]  }
0x2: {  	s0 =	rddreg [dreg:$0x1]  }
0x3: {  	s2 =	rddreg [dreg:$0x2];
	s3 =	srdreg.scid  }
0x4: {  	s4 =	simm.s32 $0x0;
	s13 =	stileid.u32;
	s28 =	simm.s32 $0x2  }
0x5: {  	s29 =	simm.s32 $0x180;
	s30 =	simm.s32 $0x300;
	s31 =	simm.s32 $0x6400  }
0x6: {  	s16 =	simm.s32 $0x0;
	s3 =	sand.u32 $0x1, s3;
	s6 =	smul.u32 $0x13C00, s13  }
0x7: {  	[smem:$0x7FF] =	sst s4;
	s7 =	sadd.s32 $0x1E00, s0;
	s18 =	smul.u32 $0x4F000, s13  }
0x8: {  	s11 =	sshll.u32 s13, $0x7;
	s12 =	smul.u32 $0xA000, s13;
	s21 =	sshll.u32 s13, $0x6  }
0x9: {  	s5 =	sshll.u32 s3, $0x4;
	_ =	strace $0x80000047;
	s8 =	smul.u32 $0x13C000, s3  }
0xa: {  	s17 =	sand.u32 $0x380, s11;
	s19 =	ssub.s32 $0x2, s3;
	s3 =	smul.u32 $0xA0000, s3  }
0xb: {  	s11 =	sor.u32 $0x1C09, s21;
	s21 =	simm.s32 $0x2400;
	s5 =	sor.u32 s13, s5  }
0xc: {  	s10 =	sshrl.u32 s6, $0x3;
	s20 =	sshrl.u32 s19, $0x1;
	[dreg:$0x5] =	wrdreg s11  }
0xd: {  	s9 =	sshrl.u32 s5, $0x3;
	s10 =	sadd.s32 s10, s0;
	s5 =	smul.u32 $0xA000, s5  }
0xe: {  	s6 =	sadd.s32 s6, s8;
	s3 =	sadd.s32 s12, s3;
	s9 =	smul.u32 $0x13C00, s9  }
0xf: {  	s6 =	sshrl.u32 s6, $0x3;
	s10 =	sadd.s32 $0x29E00, s10;
	s23 =	sor.u32 $0x500, s3  }
0x10: {  	s25 =	sor.u32 $0x400, s3;
	s26 =	sor.u32 $0x300, s3;
	s3 =	sor.u32 $0x200, s3  }
0x11: {  	s6 =	sadd.s32 s6, s0;
	[dreg:$0x4] =	wrdreg s10;
	s5 =	sshrl.u32 s5, $0x3  }
0x12: {  	s3 =	sshrl.u32 s3, $0x3;
	s8 =	sor.u32 s17, s9;
	s9 =	sshrl.u32 s18, $0x2  }
0x13: {  	s22 =	sadd.s32 s7, s5;
	s6 =	sadd.s32 $0x51600, s6;
	s5 =	sshrl.u32 s23, $0x3  }
0x14: {  	s15 =	sadd.s32 s3, s7;
	s17 =	simm.s32 $0x9;
	s18 =	simm.s32 $0x40  }
0x15: {  	s23 =	simm.s32 $0x80;
	s3 =	simm.s32 $0x280;
	s8 =	sshrl.u32 s8, $0x3  }
0x16: {  	s9 =	sadd.s32 s9, s2;
	[dreg:$0x6] =	wrdreg s22;
	s10 =	sadd.s32 $0x20, s22  }
0x17: {  	[dreg:$0x8] =	wrdreg s6;
	s12 =	sadd.s32 s5, s7;
	s5 =	sshrl.u32 s26, $0x3  }
0x18: {  	s22 =	simm.s32 $0x1;
	s26 =	simm.s32 $0x4400;
	s0 =	sadd.s32 s8, s0  }
0x19: {  	s8 =	ssub.s32 s19, s20;
	[dreg:$0x7] =	wrdreg s10;
	s14 =	sadd.s32 s5, s7  }
0x1a: {  	s19 =	simm.s32 $0x400;
	s20 =	simm.s32 $0x100;
	s5 =	simm.s32 $0x5  }
.Ltmp0:
0x1b: {  	s10 =	simm.s32 $0x6;
	s0 =	sadd.s32 $0xA0600, s0;
	(pc) =	sbr.rel .LBB2_1-.Ltmp0, $4  }
0x1c: {  	s24 =	smax.u32 s8, $0x1;
	s8 =	simm.s32 $0x4;
	[dreg:$0x9] =	wrdreg s0  }
0x1d: {  	[dreg:$0xa] =	wrdreg s24;
	s0 =	sshrl.u32 s25, $0x3;
	s24 =	simm.s32 $0x1C000  }
0x1e: {  	s25 =	simm.s32 $0x200;
	s13 =	sadd.s32 s0, s7;
	s7 =	sshrl.u32 s9, $0x3  }
0x1f: {  	v0 =	vimm.f32 $0.0e+00;
	v1 =	vimm.f32 $1.000000000e+00;
	s0 =	simm.s32 $0x3;
	s9 =	simm.s32 $0x380;
	[dreg:$0xb] =	wrdreg s7  }
.LBB2_6:
0x20: {  	s6 =	simm.s32 $0x7  }
0x21: {  	_ =	swait.ge [sflag:s6], $0x2000  }
0x22: {  	[sflag:s6] =	ssyncset.done $0x0  }
0x23: {  	s11 =	simm.s32 $0x8;
	[sflag:s6] =	ssyncadd.s32 $0xFFFFE000  }
0x24: {  	_ =	swait.ge [sflag:s11], $0x2000  }
0x25: {  	[sflag:s11] =	ssyncset.done $0x0  }
0x26: {  	[sflag:s11] =	ssyncadd.s32 $0xFFFFE000  }
0x27: {  	[bflag:$0x0] =	sbarrier.arrive $0xFFFF  }
0x28: {  	s11 =	rddreg [dreg:$0x5]  }
0x29: {  	s16 =	rddreg [dreg:$0x8]  }
0x2a: {  	s7 =	rddreg [dreg:$0xb]  }
0x2b: {  	[hbm:s16], [sflag:s11] =	dma.local [spmem:s7], $0x2780  }
0x2c: {  	_ =	swait.ge [sflag:s17], $0x2780  }
0x2d: {  	[sflag:s17] =	ssyncset.done $0x0  }
0x2e: {  	s16 =	rddreg [dreg:$0x9];
	[sflag:s17] =	ssyncadd.s32 $0xFFFFD880  }
0x2f: {  	[hbm4b:s16+s23] =	stream.strided.scatter [tilespmem:s24], [sflag:$0x9], $0x2780, s19, s23, $0x38;
	[tilespmem:$0x1E780] =	vst v63  }
0x30: {  	_ =	swait.ge [sflag:s17], $0x2780  }
0x31: {  	s16 =	rddreg [dreg:$0xc]  }
0x32: {  	s6 =	rddreg [dreg:$0xa];
	s16 =	sadd.s32 $0x1, s16  }
0x33: {  	p0 =	sne.s32 s16, s6  }
.Ltmp1:
0x34: {  	_ = 	snop;
	(pc) =	sbr.rel @!p0 .LBB2_7-.Ltmp1, $3  }
0x35: {  	_ =	sdelay $0x1  }
0x36: {  	[sflag:s17] =	ssyncset.done $0x0  }
0x37: {  	[sflag:s17] =	ssyncadd.s32 $0xFFFFD880  }
.LBB2_1:
0x38: {  	[dreg:$0xc] =	wrdreg s16  }
0x39: {  	s6 =	rddreg [dreg:$0x4]  }
0x3a: {  	[spmem:s7], [sflag:s11] =	dma.local [hbm:s6], $0x2780  }
0x3b: {  	_ =	swait.ge [sflag:s17], $0x2780  }
0x3c: {  	[sflag:s17] =	ssyncset.done $0x0  }
0x3d: {  	s7 =	simm.s32 $0x40;
	s6 =	simm.s32 $0x0;
	[sflag:s17] =	ssyncadd.s32 $0xFFFFD880  }
.LBB2_2:
0x3e: {  	p0 =	sne.s32 s7, $0x9DC0;
	[tilespmem:s6+$0x1C000] =	vst v0;
	s6 =	smov.u32 s7;
	s7 =	sadd.s32 $0x40, s7  }
.Ltmp2:
0x3f: {  	(pc) =	sbr.rel @p0 .LBB2_2-.Ltmp2, $2  }
0x40: {  	_ =	sdelay $0x2  }
0x41: {  	s6 =	sshra.s32 s6, $0x2  }
0x42: {  	[tilespmem:s6+$0x1C000] =	vst v0  }
0x43: {  	[bflag:$0x0] =	sbarrier.arrive $0xFFFF  }
0x44: {  	s7 =	simm.s32 $0x0;
	s11 =	rddreg [dreg:$0x6]  }
0x45: {  	[tilespmem:s7], [sflag:$0x9] =	stream.linear.gather [hbm4b:s11+s7], $0x100, $0x38;
	[tilespmem:$0x1E780] =	vst v63  }
0x46: {  	_ =	swait.ge [sflag:s17], $0x100  }
0x47: {  	[sflag:s17] =	ssyncset.done $0x0  }
0x48: {  	[sflag:s17] =	ssyncadd.s32 $0xFFFFFF00  }
0x49: {  	[tilespmem:s19], [sflag:$0x1] =	stream.indirect.gather [hbm4b:s1+s18], $0x80, s7, s18, $0xb8;
	[tilespmem:$0x1E780] =	vst v63  }
0x4a: {  	s16 =	rddreg [dreg:$0x7]  }
0x4b: {  	[tilespmem:s20], [sflag:$0x9] =	stream.linear.gather [hbm4b:s16+s7], $0x100, $0x38;
	[tilespmem:$0x1E780] =	vst v63  }
0x4c: {  	_ =	swait.ge [sflag:s17], $0x100  }
0x4d: {  	[sflag:s17] =	ssyncset.done $0x0  }
0x4e: {  	[sflag:s17] =	ssyncadd.s32 $0xFFFFFF00  }
0x4f: {  	[tilespmem:s21], [sflag:$0x2] =	stream.indirect.gather [hbm4b:s1+s18], $0x80, s20, s18, $0xb8;
	[tilespmem:$0x1E780] =	vst v63  }
.LBB2_4:
0x50: {  	_ =	swait.ge [sflag:s22], $0x2000  }
0x51: {  	[sflag:s22] =	ssyncset.done $0x0  }
0x52: {  	[sflag:s22] =	ssyncadd.s32 $0xFFFFE000  }
0x53: {  	[spmem:s2] =	stream.indirect.scatter.add.f32 [tilespmem:s19], [sflag:$0x5], $0x80, s23, s18, $0xb8;
	[tilespmem:$0x1E780] =	vst v63  }
0x54: {  	v2 =	vld [tilespmem:$0x80];
	_ =	sdelay $0x7  }
0x55: {  	[tilespmem:v2+s24+$0x0] =	vst.idx.add.f32.msk $0xffff, v1  }
0x56: {  	v2 =	vld [tilespmem:$0x90];
	_ =	sdelay $0x7  }
0x57: {  	[tilespmem:v2+s24+$0x0] =	vst.idx.add.f32.msk $0xffff, v1  }
0x58: {  	v2 =	vld [tilespmem:$0xA0];
	_ =	sdelay $0x7  }
0x59: {  	[tilespmem:v2+s24+$0x0] =	vst.idx.add.f32.msk $0xffff, v1  }
0x5a: {  	v2 =	vld [tilespmem:$0xB0];
	_ =	sdelay $0x6  }
0x5b: {  	p0 =	seq.s32 s7, $0x0  }
0x5c: {  	s6 =	simm.s32 @!p0 $0x7;
	[tilespmem:v2+s24+$0x0] =	vst.idx.add.f32.msk $0xffff, v1  }
0x5d: {  	_ =	swait.ge @!p0 [sflag:s6], $0x2000  }
0x5e: {  	[sflag:s6] =	ssyncset.done @!p0 $0x0  }
0x5f: {  	s11 =	sadd.s32 s7, s15;
	[sflag:s6] =	ssyncadd.s32 @!p0 $0xFFFFE000  }
0x60: {  	[tilespmem:s25], [sflag:$0x9] =	stream.linear.gather [hbm4b:s11+s4], $0x100, $0x38;
	[tilespmem:$0x1E780] =	vst v63  }
0x61: {  	_ =	swait.ge [sflag:s17], $0x100  }
0x62: {  	[sflag:s17] =	ssyncset.done $0x0  }
0x63: {  	[sflag:s17] =	ssyncadd.s32 $0xFFFFFF00  }
0x64: {  	[tilespmem:s26], [sflag:$0x3] =	stream.indirect.gather [hbm4b:s1+s18], $0x80, s25, s18, $0xb8;
	[tilespmem:$0x1E780] =	vst v63  }
0x65: {  	_ =	swait.ge [sflag:s28], $0x2000  }
0x66: {  	[sflag:s28] =	ssyncset.done $0x0  }
0x67: {  	[sflag:s28] =	ssyncadd.s32 $0xFFFFE000  }
0x68: {  	[spmem:s2] =	stream.indirect.scatter.add.f32 [tilespmem:s21], [sflag:$0x6], $0x80, s29, s18, $0xb8;
	[tilespmem:$0x1E780] =	vst v63  }
0x69: {  	v2 =	vld [tilespmem:$0x180];
	_ =	sdelay $0x7  }
0x6a: {  	[tilespmem:v2+s24+$0x0] =	vst.idx.add.f32.msk $0xffff, v1  }
0x6b: {  	v2 =	vld [tilespmem:$0x190];
	_ =	sdelay $0x7  }
0x6c: {  	[tilespmem:v2+s24+$0x0] =	vst.idx.add.f32.msk $0xffff, v1  }
0x6d: {  	v2 =	vld [tilespmem:$0x1A0];
	_ =	sdelay $0x7  }
0x6e: {  	[tilespmem:v2+s24+$0x0] =	vst.idx.add.f32.msk $0xffff, v1  }
0x6f: {  	v2 =	vld [tilespmem:$0x1B0];
	_ =	sdelay $0x7  }
0x70: {  	s6 =	simm.s32 @!p0 $0x8;
	[tilespmem:v2+s24+$0x0] =	vst.idx.add.f32.msk $0xffff, v1  }
0x71: {  	_ =	swait.ge @!p0 [sflag:s6], $0x2000  }
0x72: {  	[sflag:s6] =	ssyncset.done @!p0 $0x0  }
0x73: {  	s16 =	sadd.s32 s7, s14;
	[sflag:s6] =	ssyncadd.s32 @!p0 $0xFFFFE000  }
0x74: {  	[tilespmem:s30], [sflag:$0x9] =	stream.linear.gather [hbm4b:s16+s4], $0x100, $0x38;
	[tilespmem:$0x1E780] =	vst v63  }
0x75: {  	_ =	swait.ge [sflag:s17], $0x100  }
0x76: {  	[sflag:s17] =	ssyncset.done $0x0  }
0x77: {  	[sflag:s17] =	ssyncadd.s32 $0xFFFFFF00  }
0x78: {  	[tilespmem:s31], [sflag:$0x4] =	stream.indirect.gather [hbm4b:s1+s18], $0x80, s30, s18, $0xb8;
	[tilespmem:$0x1E780] =	vst v63  }
0x79: {  	_ =	swait.ge [sflag:s0], $0x2000  }
0x7a: {  	[sflag:s0] =	ssyncset.done $0x0  }
0x7b: {  	[sflag:s0] =	ssyncadd.s32 $0xFFFFE000  }
0x7c: {  	[spmem:s2] =	stream.indirect.scatter.add.f32 [tilespmem:s26], [sflag:$0x7], $0x80, s3, s18, $0xb8;
	[tilespmem:$0x1E780] =	vst v63  }
0x7d: {  	v2 =	vld [tilespmem:$0x280];
	_ =	sdelay $0x7  }
0x7e: {  	[tilespmem:v2+s24+$0x0] =	vst.idx.add.f32.msk $0xffff, v1  }
0x7f: {  	v2 =	vld [tilespmem:$0x290];
	_ =	sdelay $0x7  }
0x80: {  	[tilespmem:v2+s24+$0x0] =	vst.idx.add.f32.msk $0xffff, v1  }
0x81: {  	v2 =	vld [tilespmem:$0x2A0];
	_ =	sdelay $0x7  }
0x82: {  	[tilespmem:v2+s24+$0x0] =	vst.idx.add.f32.msk $0xffff, v1  }
0x83: {  	v2 =	vld [tilespmem:$0x2B0];
	_ =	sdelay $0x7  }
0x84: {  	[tilespmem:v2+s24+$0x0] =	vst.idx.add.f32.msk $0xffff, v1  }
0x85: {  	_ =	swait.ge [sflag:s5], $0x2000  }
0x86: {  	p0 =	seq.s32 s7, $0x1380;
	[sflag:s5] =	ssyncset.done $0x0  }
0x87: {  	s6 =	sadd.s32 @!p0 s7, s13;
	s16 =	simm.s32 @!p0 $0x0;
	[sflag:s5] =	ssyncadd.s32 $0xFFFFE000  }
0x88: {  	[tilespmem:s16], [sflag:$0x9] =	stream.linear.gather @!p0 [hbm4b:s6+s16], $0x100, $0x38;
	[tilespmem:$0x1E780] =	vst v63  }
0x89: {  	s6 =	simm.s32 @!p0 $0x9  }
0x8a: {  	_ =	swait.ge @!p0 [sflag:s6], $0x100  }
0x8b: {  	[sflag:s6] =	ssyncset.done @!p0 $0x0  }
0x8c: {  	s11 =	simm.s32 @!p0 $0x400;
	[sflag:s6] =	ssyncadd.s32 @!p0 $0xFFFFFF00;
	s6 =	simm.s32 @!p0 $0x40  }
0x8d: {  	[tilespmem:s11], [sflag:$0x1] =	stream.indirect.gather @!p0 [hbm4b:s1+s6], $0x80, s16, s6, $0xb8;
	[tilespmem:$0x1E780] =	vst v63  }
0x8e: {  	_ =	swait.ge [sflag:s8], $0x2000  }
0x8f: {  	[sflag:s8] =	ssyncset.done $0x0  }
0x90: {  	[sflag:s8] =	ssyncadd.s32 $0xFFFFE000  }
0x91: {  	[spmem:s2] =	stream.indirect.scatter.add.f32 [tilespmem:s31], [sflag:$0x8], $0x80, s9, s18, $0xb8;
	[tilespmem:$0x1E780] =	vst v63  }
0x92: {  	v2 =	vld [tilespmem:$0x380];
	_ =	sdelay $0x7  }
0x93: {  	[tilespmem:v2+s24+$0x0] =	vst.idx.add.f32.msk $0xffff, v1  }
0x94: {  	v2 =	vld [tilespmem:$0x390];
	_ =	sdelay $0x7  }
0x95: {  	[tilespmem:v2+s24+$0x0] =	vst.idx.add.f32.msk $0xffff, v1  }
0x96: {  	v2 =	vld [tilespmem:$0x3A0];
	_ =	sdelay $0x7  }
0x97: {  	[tilespmem:v2+s24+$0x0] =	vst.idx.add.f32.msk $0xffff, v1  }
0x98: {  	v2 =	vld [tilespmem:$0x3B0];
	_ =	sdelay $0x6  }
.Ltmp3:
0x99: {  	_ = 	snop;
	(pc) =	sbr.rel @p0 .LBB2_6-.Ltmp3, $4  }
0x9a: {  	[tilespmem:v2+s24+$0x0] =	vst.idx.add.f32.msk $0xffff, v1  }
0x9b: {  	_ =	swait.ge [sflag:s10], $0x2000  }
0x9c: {  	[sflag:s10] =	ssyncset.done $0x0  }
0x9d: {  	[sflag:s10] =	ssyncadd.s32 $0xFFFFE000  }
0x9e: {  	s6 =	sadd.s32 s7, s12  }
0x9f: {  	[tilespmem:s20], [sflag:$0x9] =	stream.linear.gather [hbm4b:s6+s4], $0x100, $0x38;
	[tilespmem:$0x1E780] =	vst v63  }
.Ltmp4:
0xa0: {  	_ = 	snop;
	(pc) =	sbr.rel .LBB2_4-.Ltmp4, $4  }
0xa1: {  	_ =	swait.ge [sflag:s17], $0x100  }
0xa2: {  	[sflag:s17] =	ssyncset.done $0x0  }
0xa3: {  	s7 =	sadd.s32 $0x80, s7;
	[sflag:s17] =	ssyncadd.s32 $0xFFFFFF00  }
0xa4: {  	[tilespmem:s21], [sflag:$0x2] =	stream.indirect.gather [hbm4b:s1+s18], $0x80, s20, s18, $0xb8;
	[tilespmem:$0x1E780] =	vst v63  }
.LBB2_7:
0xa5: {  	_ =	sfence.sel $0x180000  }
0xa6: {  	[bflag:$0x0] =	sbarrier.arrive $0xFFFF  }
0xa7: {  	_ =	strace $0x90000047  }
0xa8: {  	s0 =	stileid.u32;
	[bflag:$0x2] =	sbarrier.arrive $0xFFFF  }
0xa9: {  	p0 =	sne.s32 s0, $0x0;
	s0 =	rddreg [dreg:$0x3]  }
0xaa: {  	s0 =	sadd.s32 @!p0 $0x100000, s0  }
0xab: {  	[sflag:s0] =	ssyncadd.tile.s32 @!p0 $0x1;
	_ =	shalt  }
.Lfunc_end2:
_tile_overlayer_lowered:
.L_overlay_start_2:
0xac: {  	(tag) =	ssettag $0x2  }
0xad: {  	s0 =	rddreg [dreg:$0x0];
	s2 =	stileid.u32  }
0xae: {  	s1 =	rddreg [dreg:$0x1];
	p0 =	sne.s32 s2, $0x0  }
0xaf: {  	s3 =	rddreg [dreg:$0x2];
	[bflag:$0x3] =	sbarrier.arrive $0xFFFF;
	s2 =	simm.s32 @!p0 $0x1C09  }
0xb0: {  	[timem:s3], [sflag:s2] =	dma.local @!p0 [hbm:s0], s1  }
0xb1: {  	s0 =	simm.s32 @!p0 $0x9  }
0xb2: {  	_ =	swait.ge @!p0 [sflag:s0], s1  }
0xb3: {  	s1 =	ssub.s32 @!p0 $0x0, s1;
	[sflag:s0] =	ssyncset.done @!p0 $0x0  }
0xb4: {  	[sflag:s0] =	ssyncadd.s32 @!p0 s1  }
0xb5: {  	[bflag:$0x3] =	sbarrier.arrive $0xFFFF  }
0xb6: {  	_ =	shalt  }

</sc_bundles>
